<compile_context>
chip_gen: v7x
topology: tpu7x:2x2x1
jax: 0.10.2.dev20260603
libtpu: 0.0.44.dev20260713+nightly
codegen_flags: <defaults>
</compile_context>

<pallas_src>
import functools

import jax
import jax.numpy as jnp
from jax import lax
from jax.experimental import pallas as pl
from jax.experimental.pallas import tpu as pltpu
from jax.experimental.pallas import tpu_sc as plsc

B = 4
N = 4096
M = 4096
NSC = 256
NTC = N - NSC
TN = NTC // 3
NBLK = 8
RPB = NSC // NBLK
KV = M // 16
UQ = 4
UJ = 8
BIG = 3.0e38


def _tc_body(p1_ref, p1s_ref, p2_ref, s1_ref, cmin_ref):
    b = pl.program_id(0)
    i = pl.program_id(1)

    am2 = p1_ref[0]
    a = p1s_ref[0]
    k = p2_ref[0]

    sq1 = jnp.sum(a * a, axis=0)
    sq2 = jnp.sum(k * k, axis=0)
    innerm2 = jax.lax.dot_general(
        am2.astype(jnp.bfloat16), k.astype(jnp.bfloat16),
        (((0,), (0,)), ((), ())),
        preferred_element_type=jnp.float32,
        precision=jax.lax.Precision.DEFAULT,
    )
    d = (sq1[:, None] + sq2[None, :]) + innerm2

    @pl.when(jnp.logical_and(b == 0, i == 0))
    def _():
        s1_ref[0, 0] = 0.0

    d1 = jnp.maximum(jnp.min(d, axis=1), 0.0)
    s1_ref[0, 0] += jnp.sum(jnp.sqrt(d1))

    colmin = jnp.min(d, axis=0)

    @pl.when(i == 0)
    def _():
        cmin_ref[0, 0, :] = colmin

    @pl.when(i > 0)
    def _():
        cmin_ref[0, 0, :] = jnp.minimum(cmin_ref[0, 0, :], colmin)


def _tc_part(p1m2, p1t, p2t):
    return pl.pallas_call(
        _tc_body,
        grid=(B, NTC // TN),
        in_specs=[
            pl.BlockSpec((1, 3, TN), lambda b, i: (b, 0, i)),
            pl.BlockSpec((1, 3, TN), lambda b, i: (b, 0, i)),
            pl.BlockSpec((1, 3, M), lambda b, i: (b, 0, 0)),
        ],
        out_specs=[
            pl.BlockSpec((1, 1), lambda b, i: (0, 0),
                         memory_space=pltpu.SMEM),
            pl.BlockSpec((1, 1, M), lambda b, i: (b, 0, 0)),
        ],
        out_shape=[
            jax.ShapeDtypeStruct((1, 1), jnp.float32),
            jax.ShapeDtypeStruct((B, 1, M), jnp.float32),
        ],
    )(p1m2, p1t, p2t)


def _sc_part(qm2, qraw, km, kraw):
    mesh = plsc.VectorSubcoreMesh(core_axis_name="c", subcore_axis_name="s")

    @functools.partial(
        pl.kernel,
        mesh=mesh,
        out_type=[
            jax.ShapeDtypeStruct((B, NSC, 16), jnp.float32),
            jax.ShapeDtypeStruct((B, NBLK, M), jnp.float32),
        ],
        scratch_types=[
            pltpu.VMEM((3, RPB), jnp.float32),
            pltpu.VMEM((3, RPB), jnp.float32),
            pltpu.VMEM((3, M), jnp.float32),
            pltpu.VMEM((3, M), jnp.float32),
            pltpu.VMEM((RPB,), jnp.float32),
            pltpu.VMEM((M,), jnp.float32),
            pltpu.VMEM((M,), jnp.float32),
            pltpu.VMEM((RPB, 16), jnp.float32),
        ],
    )
    def sck(qm2_h, qraw_h, km_h, kraw_h, d1m_h, d2p_h,
            qm2_v, qraw_v, km_v, kraw_v, qs_v, s2_v, d2_v, d1_v):
        c = lax.axis_index("c")
        s = lax.axis_index("s")
        w = s * 2 + c
        b = w // NBLK
        r = w % NBLK

        pltpu.sync_copy(qm2_h.at[b, r], qm2_v)
        pltpu.sync_copy(qraw_h.at[b, r], qraw_v)
        pltpu.sync_copy(km_h.at[b], km_v)
        pltpu.sync_copy(kraw_h.at[b], kraw_v)

        def qs_body(i, _):
            x = qraw_v[0, pl.ds(i * 16, 16)]
            y = qraw_v[1, pl.ds(i * 16, 16)]
            z = qraw_v[2, pl.ds(i * 16, 16)]
            qs_v[pl.ds(i * 16, 16)] = x * x + y * y + z * z
            return 0

        lax.fori_loop(0, RPB // 16, qs_body, 0)

        def s2_body(j, _):
            x = kraw_v[0, pl.ds(j * 16, 16)]
            y = kraw_v[1, pl.ds(j * 16, 16)]
            z = kraw_v[2, pl.ds(j * 16, 16)]
            s2_v[pl.ds(j * 16, 16)] = x * x + y * y + z * z
            d2_v[pl.ds(j * 16, 16)] = jnp.full((16,), BIG, jnp.float32)
            return 0

        lax.fori_loop(0, KV, s2_body, 0)

        def qc_body(qc, _):
            q0 = qc * 16
            qs_c = qs_v[pl.ds(q0, 16)]
            qx_c = qm2_v[0, pl.ds(q0, 16)]
            qy_c = qm2_v[1, pl.ds(q0, 16)]
            qz_c = qm2_v[2, pl.ds(q0, 16)]
            for g in range(16 // UQ):
                qs_u = [qs_c[g * UQ + u] for u in range(UQ)]
                qx_u = [qx_c[g * UQ + u] for u in range(UQ)]
                qy_u = [qy_c[g * UQ + u] for u in range(UQ)]
                qz_u = [qz_c[g * UQ + u] for u in range(UQ)]

                def j_body(j, m1s):
                    kx = km_v[0, pl.ds(j * 16, 16)]
                    ky = km_v[1, pl.ds(j * 16, 16)]
                    kz = km_v[2, pl.ds(j * 16, 16)]
                    s2 = s2_v[pl.ds(j * 16, 16)]
                    vs = []
                    outs = []
                    for u in range(UQ):
                        v = ((s2 + qs_u[u]) + qx_u[u] * kx) + \
                            (qy_u[u] * ky + qz_u[u] * kz)
                        vs.append(v)
                        outs.append(jnp.minimum(m1s[u], v))
                    wmin = jnp.minimum(jnp.minimum(vs[0], vs[1]),
                                       jnp.minimum(vs[2], vs[3]))
                    d2_v[pl.ds(j * 16, 16)] = jnp.minimum(
                        d2_v[pl.ds(j * 16, 16)], wmin)
                    return tuple(outs)

                init = tuple(jnp.full((16,), BIG, jnp.float32)
                             for _ in range(UQ))
                m1f = plsc.parallel_loop(0, KV, carry=init,
                                         unroll=UJ)(j_body)
                for u in range(UQ):
                    qi = q0 + g * UQ + u
                    d1_v[qi, :] = m1f[u]
            return 0

        lax.fori_loop(0, RPB // 16, qc_body, 0)

        pltpu.sync_copy(d1_v, d1m_h.at[b, pl.ds(r * RPB, RPB)])
        pltpu.sync_copy(d2_v, d2p_h.at[b, r])

    return sck(qm2, qraw, km, kraw)


def _merge_body(s1_ref, cmin_ref, d1m_ref, d2p_ref, out_ref):
    d1 = jnp.maximum(jnp.min(d1m_ref[...], axis=2), 0.0)
    s1 = jnp.sum(s1_ref[...]) + jnp.sum(jnp.sqrt(d1))
    d2 = jnp.minimum(cmin_ref[:, 0, :],
                     jnp.min(d2p_ref[...], axis=1))
    d2 = jnp.maximum(d2, 0.0)
    s2 = jnp.sum(jnp.sqrt(d2))
    out_ref[0, 0] = s1 * (0.5 / (B * N)) + s2 * (0.5 / (B * M))


def _merge(s1, cmin, d1m, d2p):
    out = pl.pallas_call(
        _merge_body,
        out_specs=pl.BlockSpec(memory_space=pltpu.SMEM),
        out_shape=jax.ShapeDtypeStruct((1, 1), jnp.float32),
    )(s1, cmin, d1m, d2p)
    return out[0, 0]


@jax.jit
def kernel(pcs1, pcs2):
    p1t = jnp.transpose(pcs1, (0, 2, 1))
    p2t = jnp.transpose(pcs2, (0, 2, 1))
    p1m2 = p1t * -2.0
    qm2 = lax.reduce_precision(p1t, 8, 7) * -2.0
    km = lax.reduce_precision(p2t, 8, 7)

    qm2_sc = qm2[:, :, NTC:].reshape(B, 3, NBLK, RPB).transpose(0, 2, 1, 3)
    qraw_sc = p1t[:, :, NTC:].reshape(B, 3, NBLK, RPB).transpose(0, 2, 1, 3)
    d1m, d2p = _sc_part(qm2_sc, qraw_sc, km, p2t)
    s1, cmin = _tc_part(p1m2[:, :, :NTC], p1t[:, :, :NTC], p2t)
    return _merge(s1, cmin, d1m, d2p)

# --- scband reference (transcript-rebuilt; emitter-appended) ---
"""Pipeline reference for scband-chamfer-distance-11012296147710 (READ-ONLY COPY).

The authoritative reference and input builder live on the scoring server;
editing this copy changes nothing except your own understanding.
"""

import jax, jax.numpy as jnp
import numpy as np


def setup_inputs(seed: int = 0) -> dict:
    key = jax.random.key(seed)
    k1, k2 = jax.random.split(key)
    pcs1 = jax.random.normal(k1, (4, 4096, 3), dtype=jnp.float32)
    pcs2 = jax.random.normal(k2, (4, 4096, 3), dtype=jnp.float32)
    return {"pcs1": pcs1, "pcs2": pcs2}


def reference(pcs1, pcs2):
    # squared pairwise distances per batch: ||a||^2 + ||b||^2 - 2 a.b
    sq1 = jnp.sum(pcs1 * pcs1, axis=-1)  # (B, N)
    sq2 = jnp.sum(pcs2 * pcs2, axis=-1)  # (B, M)
    inner = jnp.einsum('bnd,bmd->bnm', pcs1, pcs2)  # (B, N, M)
    d = sq1[:, :, None] + sq2[:, None, :] - 2.0 * inner
    d = jnp.maximum(d, 0.0)
    dist1 = jnp.min(d, axis=2)  # (B, N) nearest neighbor in pcs2 for each pcs1 point
    dist2 = jnp.min(d, axis=1)  # (B, M) nearest neighbor in pcs1 for each pcs2 point
    dist1 = jnp.mean(jnp.sqrt(dist1))
    dist2 = jnp.mean(jnp.sqrt(dist2))
    return (dist1 + dist2) / 2.0

if __name__ == "__main__":
    import jax
    _d = setup_inputs()
    print(jax.jit(kernel)(*tuple(_d.values())))

</pallas_src>

<mosaic_0001>
#map = affine_map<(d0, d1) -> (0, 0, 0, 0)>
#map1 = affine_map<(d0, d1) -> (0, 0, 0)>
module attributes {stable_mosaic.version = 14 : i64} {
  func.func @sck(%arg0: i32, %arg1: i32, %arg2: memref<4x8x3x32xf32, #tpu.memory_space<hbm>>, %arg3: memref<4x8x3x32xf32, #tpu.memory_space<hbm>>, %arg4: memref<4x3x4096xf32, #tpu.memory_space<hbm>>, %arg5: memref<4x3x4096xf32, #tpu.memory_space<hbm>>, %arg6: memref<4x256x16xf32, #tpu.memory_space<hbm>>, %arg7: memref<4x8x4096xf32, #tpu.memory_space<hbm>>, %arg8: memref<3x32xf32, #tpu.memory_space<vmem>>, %arg9: memref<3x32xf32, #tpu.memory_space<vmem>>, %arg10: memref<3x4096xf32, #tpu.memory_space<vmem>>, %arg11: memref<3x4096xf32, #tpu.memory_space<vmem>>, %arg12: memref<32xf32, #tpu.memory_space<vmem>>, %arg13: memref<4096xf32, #tpu.memory_space<vmem>>, %arg14: memref<4096xf32, #tpu.memory_space<vmem>>, %arg15: memref<32x16xf32, #tpu.memory_space<vmem>>) attributes {dimension_semantics = [#tpu.dimension_semantics<core_parallel>, #tpu.dimension_semantics<subcore_parallel>], iteration_bounds = array<i64: 2, 16>, scalar_prefetch = 0 : i64, scratch_operands = 8 : i64, tpu.core_type = #tpu.core_type<sc_vector_subcore>, window_params = [{transform_indices = #map}, {transform_indices = #map}, {transform_indices = #map1}, {transform_indices = #map1}, {transform_indices = #map1}, {transform_indices = #map1}]} {
    %mul3A = arith.constant 2 : i32
    %mul3A_0 = arith.muli %arg1, %mul3A : i32
    %add3A = arith.addi %mul3A_0, %arg0 : i32
    %jit3A = arith.constant 8 : i32
    %div3A = arith.divsi %add3A, %jit3A : i32
    %sign3A = arith.constant 0 : i32
    %sign3A_1 = arith.cmpi sgt, %add3A, %sign3A : i32
    %sign3A_2 = arith.extui %sign3A_1 : i1 to i32
    %sign3A_3 = arith.constant 0 : i32
    %sign3A_4 = arith.cmpi slt, %add3A, %sign3A_3 : i32
    %sign3A_5 = arith.extui %sign3A_4 : i1 to i32
    %sign3A_6 = arith.subi %sign3A_2, %sign3A_5 : i32
    %sign3A_7 = arith.constant 0 : i32
    %sign3A_8 = arith.cmpi sgt, %jit3A, %sign3A_7 : i32
    %sign3A_9 = arith.extui %sign3A_8 : i1 to i32
    %sign3A_10 = arith.constant 0 : i32
    %sign3A_11 = arith.cmpi slt, %jit3A, %sign3A_10 : i32
    %sign3A_12 = arith.extui %sign3A_11 : i1 to i32
    %sign3A_13 = arith.subi %sign3A_9, %sign3A_12 : i32
    %ne3A = arith.cmpi ne, %sign3A_6, %sign3A_13 : i32
    %rem3A = arith.remsi %add3A, %jit3A : i32
    %ne3A_14 = arith.constant 0 : i32
    %ne3A_15 = arith.cmpi ne, %rem3A, %ne3A_14 : i32
    %and3A = arith.andi %ne3A, %ne3A_15 : i1
    %sub3A = arith.constant 1 : i32
    %sub3A_16 = arith.subi %div3A, %sub3A : i32
    %select_n3A = arith.select %and3A, %sub3A_16, %div3A : i32
    %jit3A_17 = arith.constant 8 : i32
    %eq3A = arith.constant 0 : i32
    %eq3A_18 = arith.cmpi eq, %jit3A_17, %eq3A : i32
    %jit3A_19 = arith.constant 1 : i32
    %select_n3A_20 = arith.select %eq3A_18, %jit3A_19, %jit3A_17 : i32
    %rem3A_21 = arith.remsi %add3A, %select_n3A_20 : i32
    %ne3A_22 = arith.constant 0 : i32
    %ne3A_23 = arith.cmpi ne, %rem3A_21, %ne3A_22 : i32
    %lt3A = arith.constant 0 : i32
    %lt3A_24 = arith.cmpi slt, %rem3A_21, %lt3A : i32
    %lt3A_25 = arith.constant 0 : i32
    %lt3A_26 = arith.cmpi slt, %select_n3A_20, %lt3A_25 : i32
    %ne3A_27 = arith.xori %lt3A_24, %lt3A_26 : i1
    %and3A_28 = arith.andi %ne3A_27, %ne3A_23 : i1
    %add3A_29 = arith.addi %rem3A_21, %select_n3A_20 : i32
    %select_n3A_30 = arith.select %and3A_28, %add3A_29, %rem3A_21 : i32
    "tpu.region"() ({
      %run_scoped3A = tpu.sem_alloc : memref<!tpu.dma_semaphore, #tpu.memory_space<semaphore_mem>>
      %dma_start3A = arith.constant 0 : i32
      %dma_start3A_53 = arith.constant 0 : i32
      %dma_start3A_54 = tpu.memref_slice %arg2[%select_n3A, %select_n3A_30, %dma_start3A, %dma_start3A_53] : memref<4x8x3x32xf32, #tpu.memory_space<hbm>> -> memref<1x1x3x32xf32, #tpu.memory_space<hbm>>
      %dma_start3A_55 = tpu.memref_squeeze %dma_start3A_54 : memref<1x1x3x32xf32, #tpu.memory_space<hbm>> -> memref<3x32xf32, #tpu.memory_space<hbm>>
      %dma_start3A_56 = arith.constant 0 : i32
      %dma_start3A_57 = arith.constant 0 : i32
      %dma_start3A_58 = tpu.memref_slice %arg2[%select_n3A, %select_n3A_30, %dma_start3A_56, %dma_start3A_57] : memref<4x8x3x32xf32, #tpu.memory_space<hbm>> -> memref<1x1x3x32xf32, #tpu.memory_space<hbm>>
      %dma_start3A_59 = tpu.memref_squeeze %dma_start3A_58 : memref<1x1x3x32xf32, #tpu.memory_space<hbm>> -> memref<3x32xf32, #tpu.memory_space<hbm>>
      tpu.enqueue_dma source(%dma_start3A_59 : memref<3x32xf32, #tpu.memory_space<hbm>>) target(%arg8 : memref<3x32xf32, #tpu.memory_space<vmem>>) target_semaphore(%run_scoped3A : memref<!tpu.dma_semaphore, #tpu.memory_space<semaphore_mem>>)
      %dma_wait3A = arith.constant 0 : i32
      %dma_wait3A_60 = arith.constant 0 : i32
      %dma_wait3A_61 = tpu.memref_slice %arg2[%select_n3A, %select_n3A_30, %dma_wait3A, %dma_wait3A_60] : memref<4x8x3x32xf32, #tpu.memory_space<hbm>> -> memref<1x1x3x32xf32, #tpu.memory_space<hbm>>
      %dma_wait3A_62 = tpu.memref_squeeze %dma_wait3A_61 : memref<1x1x3x32xf32, #tpu.memory_space<hbm>> -> memref<3x32xf32, #tpu.memory_space<hbm>>
      %dma_wait3A_63 = arith.constant 0 : i32
      %dma_wait3A_64 = arith.constant 0 : i32
      %dma_wait3A_65 = tpu.memref_slice %arg2[%select_n3A, %select_n3A_30, %dma_wait3A_63, %dma_wait3A_64] : memref<4x8x3x32xf32, #tpu.memory_space<hbm>> -> memref<1x1x3x32xf32, #tpu.memory_space<hbm>>
      %dma_wait3A_66 = tpu.memref_squeeze %dma_wait3A_65 : memref<1x1x3x32xf32, #tpu.memory_space<hbm>> -> memref<3x32xf32, #tpu.memory_space<hbm>>
      tpu.wait_dma2 semaphore(%run_scoped3A : memref<!tpu.dma_semaphore, #tpu.memory_space<semaphore_mem>>) src(%dma_wait3A_66 : memref<3x32xf32, #tpu.memory_space<hbm>>) dst(%arg8 : memref<3x32xf32, #tpu.memory_space<vmem>>)
      tpu.yield
    }) : () -> ()
    "tpu.region"() ({
      %run_scoped3A = tpu.sem_alloc : memref<!tpu.dma_semaphore, #tpu.memory_space<semaphore_mem>>
      %dma_start3A = arith.constant 0 : i32
      %dma_start3A_53 = arith.constant 0 : i32
      %dma_start3A_54 = tpu.memref_slice %arg3[%select_n3A, %select_n3A_30, %dma_start3A, %dma_start3A_53] : memref<4x8x3x32xf32, #tpu.memory_space<hbm>> -> memref<1x1x3x32xf32, #tpu.memory_space<hbm>>
      %dma_start3A_55 = tpu.memref_squeeze %dma_start3A_54 : memref<1x1x3x32xf32, #tpu.memory_space<hbm>> -> memref<3x32xf32, #tpu.memory_space<hbm>>
      %dma_start3A_56 = arith.constant 0 : i32
      %dma_start3A_57 = arith.constant 0 : i32
      %dma_start3A_58 = tpu.memref_slice %arg3[%select_n3A, %select_n3A_30, %dma_start3A_56, %dma_start3A_57] : memref<4x8x3x32xf32, #tpu.memory_space<hbm>> -> memref<1x1x3x32xf32, #tpu.memory_space<hbm>>
      %dma_start3A_59 = tpu.memref_squeeze %dma_start3A_58 : memref<1x1x3x32xf32, #tpu.memory_space<hbm>> -> memref<3x32xf32, #tpu.memory_space<hbm>>
      tpu.enqueue_dma source(%dma_start3A_59 : memref<3x32xf32, #tpu.memory_space<hbm>>) target(%arg9 : memref<3x32xf32, #tpu.memory_space<vmem>>) target_semaphore(%run_scoped3A : memref<!tpu.dma_semaphore, #tpu.memory_space<semaphore_mem>>)
      %dma_wait3A = arith.constant 0 : i32
      %dma_wait3A_60 = arith.constant 0 : i32
      %dma_wait3A_61 = tpu.memref_slice %arg3[%select_n3A, %select_n3A_30, %dma_wait3A, %dma_wait3A_60] : memref<4x8x3x32xf32, #tpu.memory_space<hbm>> -> memref<1x1x3x32xf32, #tpu.memory_space<hbm>>
      %dma_wait3A_62 = tpu.memref_squeeze %dma_wait3A_61 : memref<1x1x3x32xf32, #tpu.memory_space<hbm>> -> memref<3x32xf32, #tpu.memory_space<hbm>>
      %dma_wait3A_63 = arith.constant 0 : i32
      %dma_wait3A_64 = arith.constant 0 : i32
      %dma_wait3A_65 = tpu.memref_slice %arg3[%select_n3A, %select_n3A_30, %dma_wait3A_63, %dma_wait3A_64] : memref<4x8x3x32xf32, #tpu.memory_space<hbm>> -> memref<1x1x3x32xf32, #tpu.memory_space<hbm>>
      %dma_wait3A_66 = tpu.memref_squeeze %dma_wait3A_65 : memref<1x1x3x32xf32, #tpu.memory_space<hbm>> -> memref<3x32xf32, #tpu.memory_space<hbm>>
      tpu.wait_dma2 semaphore(%run_scoped3A : memref<!tpu.dma_semaphore, #tpu.memory_space<semaphore_mem>>) src(%dma_wait3A_66 : memref<3x32xf32, #tpu.memory_space<hbm>>) dst(%arg9 : memref<3x32xf32, #tpu.memory_space<vmem>>)
      tpu.yield
    }) : () -> ()
    "tpu.region"() ({
      %run_scoped3A = tpu.sem_alloc : memref<!tpu.dma_semaphore, #tpu.memory_space<semaphore_mem>>
      %dma_start3A = arith.constant 0 : i32
      %dma_start3A_53 = arith.constant 0 : i32
      %dma_start3A_54 = tpu.memref_slice %arg4[%select_n3A, %dma_start3A, %dma_start3A_53] : memref<4x3x4096xf32, #tpu.memory_space<hbm>> -> memref<1x3x4096xf32, #tpu.memory_space<hbm>>
      %dma_start3A_55 = tpu.memref_squeeze %dma_start3A_54 : memref<1x3x4096xf32, #tpu.memory_space<hbm>> -> memref<3x4096xf32, #tpu.memory_space<hbm>>
      %dma_start3A_56 = arith.constant 0 : i32
      %dma_start3A_57 = arith.constant 0 : i32
      %dma_start3A_58 = tpu.memref_slice %arg4[%select_n3A, %dma_start3A_56, %dma_start3A_57] : memref<4x3x4096xf32, #tpu.memory_space<hbm>> -> memref<1x3x4096xf32, #tpu.memory_space<hbm>>
      %dma_start3A_59 = tpu.memref_squeeze %dma_start3A_58 : memref<1x3x4096xf32, #tpu.memory_space<hbm>> -> memref<3x4096xf32, #tpu.memory_space<hbm>>
      tpu.enqueue_dma source(%dma_start3A_59 : memref<3x4096xf32, #tpu.memory_space<hbm>>) target(%arg10 : memref<3x4096xf32, #tpu.memory_space<vmem>>) target_semaphore(%run_scoped3A : memref<!tpu.dma_semaphore, #tpu.memory_space<semaphore_mem>>)
      %dma_wait3A = arith.constant 0 : i32
      %dma_wait3A_60 = arith.constant 0 : i32
      %dma_wait3A_61 = tpu.memref_slice %arg4[%select_n3A, %dma_wait3A, %dma_wait3A_60] : memref<4x3x4096xf32, #tpu.memory_space<hbm>> -> memref<1x3x4096xf32, #tpu.memory_space<hbm>>
      %dma_wait3A_62 = tpu.memref_squeeze %dma_wait3A_61 : memref<1x3x4096xf32, #tpu.memory_space<hbm>> -> memref<3x4096xf32, #tpu.memory_space<hbm>>
      %dma_wait3A_63 = arith.constant 0 : i32
      %dma_wait3A_64 = arith.constant 0 : i32
      %dma_wait3A_65 = tpu.memref_slice %arg4[%select_n3A, %dma_wait3A_63, %dma_wait3A_64] : memref<4x3x4096xf32, #tpu.memory_space<hbm>> -> memref<1x3x4096xf32, #tpu.memory_space<hbm>>
      %dma_wait3A_66 = tpu.memref_squeeze %dma_wait3A_65 : memref<1x3x4096xf32, #tpu.memory_space<hbm>> -> memref<3x4096xf32, #tpu.memory_space<hbm>>
      tpu.wait_dma2 semaphore(%run_scoped3A : memref<!tpu.dma_semaphore, #tpu.memory_space<semaphore_mem>>) src(%dma_wait3A_66 : memref<3x4096xf32, #tpu.memory_space<hbm>>) dst(%arg10 : memref<3x4096xf32, #tpu.memory_space<vmem>>)
      tpu.yield
    }) : () -> ()
    "tpu.region"() ({
      %run_scoped3A = tpu.sem_alloc : memref<!tpu.dma_semaphore, #tpu.memory_space<semaphore_mem>>
      %dma_start3A = arith.constant 0 : i32
      %dma_start3A_53 = arith.constant 0 : i32
      %dma_start3A_54 = tpu.memref_slice %arg5[%select_n3A, %dma_start3A, %dma_start3A_53] : memref<4x3x4096xf32, #tpu.memory_space<hbm>> -> memref<1x3x4096xf32, #tpu.memory_space<hbm>>
      %dma_start3A_55 = tpu.memref_squeeze %dma_start3A_54 : memref<1x3x4096xf32, #tpu.memory_space<hbm>> -> memref<3x4096xf32, #tpu.memory_space<hbm>>
      %dma_start3A_56 = arith.constant 0 : i32
      %dma_start3A_57 = arith.constant 0 : i32
      %dma_start3A_58 = tpu.memref_slice %arg5[%select_n3A, %dma_start3A_56, %dma_start3A_57] : memref<4x3x4096xf32, #tpu.memory_space<hbm>> -> memref<1x3x4096xf32, #tpu.memory_space<hbm>>
      %dma_start3A_59 = tpu.memref_squeeze %dma_start3A_58 : memref<1x3x4096xf32, #tpu.memory_space<hbm>> -> memref<3x4096xf32, #tpu.memory_space<hbm>>
      tpu.enqueue_dma source(%dma_start3A_59 : memref<3x4096xf32, #tpu.memory_space<hbm>>) target(%arg11 : memref<3x4096xf32, #tpu.memory_space<vmem>>) target_semaphore(%run_scoped3A : memref<!tpu.dma_semaphore, #tpu.memory_space<semaphore_mem>>)
      %dma_wait3A = arith.constant 0 : i32
      %dma_wait3A_60 = arith.constant 0 : i32
      %dma_wait3A_61 = tpu.memref_slice %arg5[%select_n3A, %dma_wait3A, %dma_wait3A_60] : memref<4x3x4096xf32, #tpu.memory_space<hbm>> -> memref<1x3x4096xf32, #tpu.memory_space<hbm>>
      %dma_wait3A_62 = tpu.memref_squeeze %dma_wait3A_61 : memref<1x3x4096xf32, #tpu.memory_space<hbm>> -> memref<3x4096xf32, #tpu.memory_space<hbm>>
      %dma_wait3A_63 = arith.constant 0 : i32
      %dma_wait3A_64 = arith.constant 0 : i32
      %dma_wait3A_65 = tpu.memref_slice %arg5[%select_n3A, %dma_wait3A_63, %dma_wait3A_64] : memref<4x3x4096xf32, #tpu.memory_space<hbm>> -> memref<1x3x4096xf32, #tpu.memory_space<hbm>>
      %dma_wait3A_66 = tpu.memref_squeeze %dma_wait3A_65 : memref<1x3x4096xf32, #tpu.memory_space<hbm>> -> memref<3x4096xf32, #tpu.memory_space<hbm>>
      tpu.wait_dma2 semaphore(%run_scoped3A : memref<!tpu.dma_semaphore, #tpu.memory_space<semaphore_mem>>) src(%dma_wait3A_66 : memref<3x4096xf32, #tpu.memory_space<hbm>>) dst(%arg11 : memref<3x4096xf32, #tpu.memory_space<vmem>>)
      tpu.yield
    }) : () -> ()
    %scan3A = arith.constant 0 : i32
    %scan3A_31 = arith.constant 0 : i32
    %scan3A_32 = arith.constant 2 : i32
    %scan3A_33 = arith.addi %scan3A_31, %scan3A_32 : i32
    %scan3A_34 = arith.constant 1 : i32
    %scan3A_35 = scf.for %scan3A_53 = %scan3A_31 to %scan3A_33 step %scan3A_34 iter_args(%scan3A_54 = %scan3A) -> (i32)  : i32 {
      %mul3A_55 = arith.constant 16 : i32
      %mul3A_56 = arith.muli %scan3A_53, %mul3A_55 : i32
      %get3A = arith.constant 0 : i32
      %get3A_57 = arith.index_cast %get3A : i32 to index
      %get3A_58 = arith.index_cast %mul3A_56 : i32 to index
      %get3A_59 = tpu.vector_load %arg9[%get3A_57, %get3A_58] {strides = array<i32>} : memref<3x32xf32, #tpu.memory_space<vmem>>, vector<1x16xf32>,
      %get3A_60 = vector.shape_cast %get3A_59 : vector<1x16xf32> to vector<16xf32>
      %mul3A_61 = arith.constant 16 : i32
      %mul3A_62 = arith.muli %scan3A_53, %mul3A_61 : i32
      %get3A_63 = arith.constant 1 : i32
      %get3A_64 = arith.index_cast %get3A_63 : i32 to index
      %get3A_65 = arith.index_cast %mul3A_62 : i32 to index
      %get3A_66 = tpu.vector_load %arg9[%get3A_64, %get3A_65] {strides = array<i32>} : memref<3x32xf32, #tpu.memory_space<vmem>>, vector<1x16xf32>,
      %get3A_67 = vector.shape_cast %get3A_66 : vector<1x16xf32> to vector<16xf32>
      %mul3A_68 = arith.constant 16 : i32
      %mul3A_69 = arith.muli %scan3A_53, %mul3A_68 : i32
      %get3A_70 = arith.constant 2 : i32
      %get3A_71 = arith.index_cast %get3A_70 : i32 to index
      %get3A_72 = arith.index_cast %mul3A_69 : i32 to index
      %get3A_73 = tpu.vector_load %arg9[%get3A_71, %get3A_72] {strides = array<i32>} : memref<3x32xf32, #tpu.memory_space<vmem>>, vector<1x16xf32>,
      %get3A_74 = vector.shape_cast %get3A_73 : vector<1x16xf32> to vector<16xf32>
      %mul3A_75 = arith.mulf %get3A_60, %get3A_60 : vector<16xf32>
      %mul3A_76 = arith.mulf %get3A_67, %get3A_67 : vector<16xf32>
      %add3A_77 = arith.addf %mul3A_75, %mul3A_76 : vector<16xf32>
      %mul3A_78 = arith.mulf %get3A_74, %get3A_74 : vector<16xf32>
      %add3A_79 = arith.addf %add3A_77, %mul3A_78 : vector<16xf32>
      %mul3A_80 = arith.constant 16 : i32
      %mul3A_81 = arith.muli %scan3A_53, %mul3A_80 : i32
      %swap3A = arith.index_cast %mul3A_81 : i32 to index
      %swap3A_82 = tpu.vector_load %arg12[%swap3A] {strides = array<i32>} : memref<32xf32, #tpu.memory_space<vmem>>, vector<16xf32>,
      %swap3A_83 = vector.shape_cast %swap3A_82 : vector<16xf32> to vector<16xf32>
      %swap3A_84 = vector.shape_cast %add3A_79 : vector<16xf32> to vector<16xf32>
      tpu.vector_store %arg12[%swap3A], %swap3A_84 {strides = array<i32>} : memref<32xf32, #tpu.memory_space<vmem>>, vector<16xf32>,
      %scan3A_85 = arith.constant 0 : i32
      scf.yield %scan3A_85 : i32
    }
    %scan3A_36 = arith.constant 2 : i32
    %scan3A_37 = arith.constant 0 : i32
    %scan3A_38 = arith.constant 0 : i32
    %scan3A_39 = arith.constant 256 : i32
    %scan3A_40 = arith.addi %scan3A_38, %scan3A_39 : i32
    %scan3A_41 = arith.constant 1 : i32
    %scan3A_42 = scf.for %scan3A_53 = %scan3A_38 to %scan3A_40 step %scan3A_41 iter_args(%scan3A_54 = %scan3A_37) -> (i32)  : i32 {
      %mul3A_55 = arith.constant 16 : i32
      %mul3A_56 = arith.muli %scan3A_53, %mul3A_55 : i32
      %get3A = arith.constant 0 : i32
      %get3A_57 = arith.index_cast %get3A : i32 to index
      %get3A_58 = arith.index_cast %mul3A_56 : i32 to index
      %get3A_59 = tpu.vector_load %arg11[%get3A_57, %get3A_58] {strides = array<i32>} : memref<3x4096xf32, #tpu.memory_space<vmem>>, vector<1x16xf32>,
      %get3A_60 = vector.shape_cast %get3A_59 : vector<1x16xf32> to vector<16xf32>
      %mul3A_61 = arith.constant 16 : i32
      %mul3A_62 = arith.muli %scan3A_53, %mul3A_61 : i32
      %get3A_63 = arith.constant 1 : i32
      %get3A_64 = arith.index_cast %get3A_63 : i32 to index
      %get3A_65 = arith.index_cast %mul3A_62 : i32 to index
      %get3A_66 = tpu.vector_load %arg11[%get3A_64, %get3A_65] {strides = array<i32>} : memref<3x4096xf32, #tpu.memory_space<vmem>>, vector<1x16xf32>,
      %get3A_67 = vector.shape_cast %get3A_66 : vector<1x16xf32> to vector<16xf32>
      %mul3A_68 = arith.constant 16 : i32
      %mul3A_69 = arith.muli %scan3A_53, %mul3A_68 : i32
      %get3A_70 = arith.constant 2 : i32
      %get3A_71 = arith.index_cast %get3A_70 : i32 to index
      %get3A_72 = arith.index_cast %mul3A_69 : i32 to index
      %get3A_73 = tpu.vector_load %arg11[%get3A_71, %get3A_72] {strides = array<i32>} : memref<3x4096xf32, #tpu.memory_space<vmem>>, vector<1x16xf32>,
      %get3A_74 = vector.shape_cast %get3A_73 : vector<1x16xf32> to vector<16xf32>
      %mul3A_75 = arith.mulf %get3A_60, %get3A_60 : vector<16xf32>
      %mul3A_76 = arith.mulf %get3A_67, %get3A_67 : vector<16xf32>
      %add3A_77 = arith.addf %mul3A_75, %mul3A_76 : vector<16xf32>
      %mul3A_78 = arith.mulf %get3A_74, %get3A_74 : vector<16xf32>
      %add3A_79 = arith.addf %add3A_77, %mul3A_78 : vector<16xf32>
      %mul3A_80 = arith.constant 16 : i32
      %mul3A_81 = arith.muli %scan3A_53, %mul3A_80 : i32
      %swap3A = arith.index_cast %mul3A_81 : i32 to index
      %swap3A_82 = tpu.vector_load %arg13[%swap3A] {strides = array<i32>} : memref<4096xf32, #tpu.memory_space<vmem>>, vector<16xf32>,
      %swap3A_83 = vector.shape_cast %swap3A_82 : vector<16xf32> to vector<16xf32>
      %swap3A_84 = vector.shape_cast %add3A_79 : vector<16xf32> to vector<16xf32>
      tpu.vector_store %arg13[%swap3A], %swap3A_84 {strides = array<i32>} : memref<4096xf32, #tpu.memory_space<vmem>>, vector<16xf32>,
      %broadcast_in_dim3A = arith.constant 3.000000e+38 : f32
      %broadcast_in_dim3A_85 = vector.broadcast %broadcast_in_dim3A : f32 to vector<16xf32>
      %mul3A_86 = arith.constant 16 : i32
      %mul3A_87 = arith.muli %scan3A_53, %mul3A_86 : i32
      %swap3A_88 = arith.index_cast %mul3A_87 : i32 to index
      %swap3A_89 = tpu.vector_load %arg14[%swap3A_88] {strides = array<i32>} : memref<4096xf32, #tpu.memory_space<vmem>>, vector<16xf32>,
      %swap3A_90 = vector.shape_cast %swap3A_89 : vector<16xf32> to vector<16xf32>
      %swap3A_91 = vector.shape_cast %broadcast_in_dim3A_85 : vector<16xf32> to vector<16xf32>
      tpu.vector_store %arg14[%swap3A_88], %swap3A_91 {strides = array<i32>} : memref<4096xf32, #tpu.memory_space<vmem>>, vector<16xf32>,
      %scan3A_92 = arith.constant 0 : i32
      scf.yield %scan3A_92 : i32
    }
    %scan3A_43 = arith.constant 256 : i32
    %scan3A_44 = arith.constant 0 : i32
    %scan3A_45 = arith.constant 0 : i32
    %scan3A_46 = arith.constant 2 : i32
    %scan3A_47 = arith.addi %scan3A_45, %scan3A_46 : i32
    %scan3A_48 = arith.constant 1 : i32
    %scan3A_49 = scf.for %scan3A_53 = %scan3A_45 to %scan3A_47 step %scan3A_48 iter_args(%scan3A_54 = %scan3A_44) -> (i32)  : i32 {
      %mul3A_55 = arith.constant 16 : i32
      %mul3A_56 = arith.muli %scan3A_53, %mul3A_55 : i32
      %get3A = arith.index_cast %mul3A_56 : i32 to index
      %get3A_57 = tpu.vector_load %arg12[%get3A] {strides = array<i32>} : memref<32xf32, #tpu.memory_space<vmem>>, vector<16xf32>,
      %get3A_58 = vector.shape_cast %get3A_57 : vector<16xf32> to vector<16xf32>
      %get3A_59 = arith.constant 0 : i32
      %get3A_60 = arith.index_cast %get3A_59 : i32 to index
      %get3A_61 = arith.index_cast %mul3A_56 : i32 to index
      %get3A_62 = tpu.vector_load %arg8[%get3A_60, %get3A_61] {strides = array<i32>} : memref<3x32xf32, #tpu.memory_space<vmem>>, vector<1x16xf32>,
      %get3A_63 = vector.shape_cast %get3A_62 : vector<1x16xf32> to vector<16xf32>
      %get3A_64 = arith.constant 1 : i32
      %get3A_65 = arith.index_cast %get3A_64 : i32 to index
      %get3A_66 = arith.index_cast %mul3A_56 : i32 to index
      %get3A_67 = tpu.vector_load %arg8[%get3A_65, %get3A_66] {strides = array<i32>} : memref<3x32xf32, #tpu.memory_space<vmem>>, vector<1x16xf32>,
      %get3A_68 = vector.shape_cast %get3A_67 : vector<1x16xf32> to vector<16xf32>
      %get3A_69 = arith.constant 2 : i32
      %get3A_70 = arith.index_cast %get3A_69 : i32 to index
      %get3A_71 = arith.index_cast %mul3A_56 : i32 to index
      %get3A_72 = tpu.vector_load %arg8[%get3A_70, %get3A_71] {strides = array<i32>} : memref<3x32xf32, #tpu.memory_space<vmem>>, vector<1x16xf32>,
      %get3A_73 = vector.shape_cast %get3A_72 : vector<1x16xf32> to vector<16xf32>
      %slice3A = vector.extract_strided_slice %get3A_58 {offsets = [0], sizes = [1], strides = [1]} : vector<16xf32> to vector<1xf32>
      %squeeze3A = vector.extract %slice3A[0] : f32 from vector<1xf32>
      %slice3A_74 = vector.extract_strided_slice %get3A_58 {offsets = [1], sizes = [1], strides = [1]} : vector<16xf32> to vector<1xf32>
      %squeeze3A_75 = vector.extract %slice3A_74[0] : f32 from vector<1xf32>
      %slice3A_76 = vector.extract_strided_slice %get3A_58 {offsets = [2], sizes = [1], strides = [1]} : vector<16xf32> to vector<1xf32>
      %squeeze3A_77 = vector.extract %slice3A_76[0] : f32 from vector<1xf32>
      %slice3A_78 = vector.extract_strided_slice %get3A_58 {offsets = [3], sizes = [1], strides = [1]} : vector<16xf32> to vector<1xf32>
      %squeeze3A_79 = vector.extract %slice3A_78[0] : f32 from vector<1xf32>
      %slice3A_80 = vector.extract_strided_slice %get3A_63 {offsets = [0], sizes = [1], strides = [1]} : vector<16xf32> to vector<1xf32>
      %squeeze3A_81 = vector.extract %slice3A_80[0] : f32 from vector<1xf32>
      %slice3A_82 = vector.extract_strided_slice %get3A_63 {offsets = [1], sizes = [1], strides = [1]} : vector<16xf32> to vector<1xf32>
      %squeeze3A_83 = vector.extract %slice3A_82[0] : f32 from vector<1xf32>
      %slice3A_84 = vector.extract_strided_slice %get3A_63 {offsets = [2], sizes = [1], strides = [1]} : vector<16xf32> to vector<1xf32>
      %squeeze3A_85 = vector.extract %slice3A_84[0] : f32 from vector<1xf32>
      %slice3A_86 = vector.extract_strided_slice %get3A_63 {offsets = [3], sizes = [1], strides = [1]} : vector<16xf32> to vector<1xf32>
      %squeeze3A_87 = vector.extract %slice3A_86[0] : f32 from vector<1xf32>
      %slice3A_88 = vector.extract_strided_slice %get3A_68 {offsets = [0], sizes = [1], strides = [1]} : vector<16xf32> to vector<1xf32>
      %squeeze3A_89 = vector.extract %slice3A_88[0] : f32 from vector<1xf32>
      %slice3A_90 = vector.extract_strided_slice %get3A_68 {offsets = [1], sizes = [1], strides = [1]} : vector<16xf32> to vector<1xf32>
      %squeeze3A_91 = vector.extract %slice3A_90[0] : f32 from vector<1xf32>
      %slice3A_92 = vector.extract_strided_slice %get3A_68 {offsets = [2], sizes = [1], strides = [1]} : vector<16xf32> to vector<1xf32>
      %squeeze3A_93 = vector.extract %slice3A_92[0] : f32 from vector<1xf32>
      %slice3A_94 = vector.extract_strided_slice %get3A_68 {offsets = [3], sizes = [1], strides = [1]} : vector<16xf32> to vector<1xf32>
      %squeeze3A_95 = vector.extract %slice3A_94[0] : f32 from vector<1xf32>
      %slice3A_96 = vector.extract_strided_slice %get3A_73 {offsets = [0], sizes = [1], strides = [1]} : vector<16xf32> to vector<1xf32>
      %squeeze3A_97 = vector.extract %slice3A_96[0] : f32 from vector<1xf32>
      %slice3A_98 = vector.extract_strided_slice %get3A_73 {offsets = [1], sizes = [1], strides = [1]} : vector<16xf32> to vector<1xf32>
      %squeeze3A_99 = vector.extract %slice3A_98[0] : f32 from vector<1xf32>
      %slice3A_100 = vector.extract_strided_slice %get3A_73 {offsets = [2], sizes = [1], strides = [1]} : vector<16xf32> to vector<1xf32>
      %squeeze3A_101 = vector.extract %slice3A_100[0] : f32 from vector<1xf32>
      %slice3A_102 = vector.extract_strided_slice %get3A_73 {offsets = [3], sizes = [1], strides = [1]} : vector<16xf32> to vector<1xf32>
      %squeeze3A_103 = vector.extract %slice3A_102[0] : f32 from vector<1xf32>
      %broadcast_in_dim3A = arith.constant 3.000000e+38 : f32
      %broadcast_in_dim3A_104 = vector.broadcast %broadcast_in_dim3A : f32 to vector<16xf32>
      %broadcast_in_dim3A_105 = arith.constant 3.000000e+38 : f32
      %broadcast_in_dim3A_106 = vector.broadcast %broadcast_in_dim3A_105 : f32 to vector<16xf32>
      %broadcast_in_dim3A_107 = arith.constant 3.000000e+38 : f32
      %broadcast_in_dim3A_108 = vector.broadcast %broadcast_in_dim3A_107 : f32 to vector<16xf32>
      %broadcast_in_dim3A_109 = arith.constant 3.000000e+38 : f32
      %broadcast_in_dim3A_110 = vector.broadcast %broadcast_in_dim3A_109 : f32 to vector<16xf32>
      %parallel_loop3A = arith.constant 0 : i32
      %parallel_loop3A_111 = arith.constant 256 : i32
      %parallel_loop3A_112 = arith.constant 1 : i32
      %parallel_loop3A_113:4 = scf.for %parallel_loop3A_390 = %parallel_loop3A to %parallel_loop3A_111 step %parallel_loop3A_112 iter_args(%parallel_loop3A_391 = %broadcast_in_dim3A_104, %parallel_loop3A_392 = %broadcast_in_dim3A_106, %parallel_loop3A_393 = %broadcast_in_dim3A_108, %parallel_loop3A_394 = %broadcast_in_dim3A_110) -> (vector<16xf32>, vector<16xf32>, vector<16xf32>, vector<16xf32>)  : i32 {
        %parallel_loop3A_395 = arith.constant 16 : i32
        %parallel_loop3A_396 = arith.muli %parallel_loop3A_390, %parallel_loop3A_395 : i32
        %parallel_loop3A_397 = arith.constant 0 : i32
        %parallel_loop3A_398 = arith.index_cast %parallel_loop3A_397 : i32 to index
        %parallel_loop3A_399 = arith.index_cast %parallel_loop3A_396 : i32 to index
        %parallel_loop3A_400 = tpu.vector_load %arg10[%parallel_loop3A_398, %parallel_loop3A_399] {strides = array<i32>} : memref<3x4096xf32, #tpu.memory_space<vmem>>, vector<1x16xf32>,
        %parallel_loop3A_401 = vector.shape_cast %parallel_loop3A_400 : vector<1x16xf32> to vector<16xf32>
        %parallel_loop3A_402 = arith.constant 16 : i32
        %parallel_loop3A_403 = arith.muli %parallel_loop3A_390, %parallel_loop3A_402 : i32
        %parallel_loop3A_404 = arith.constant 1 : i32
        %parallel_loop3A_405 = arith.index_cast %parallel_loop3A_404 : i32 to index
        %parallel_loop3A_406 = arith.index_cast %parallel_loop3A_403 : i32 to index
        %parallel_loop3A_407 = tpu.vector_load %arg10[%parallel_loop3A_405, %parallel_loop3A_406] {strides = array<i32>} : memref<3x4096xf32, #tpu.memory_space<vmem>>, vector<1x16xf32>,
        %parallel_loop3A_408 = vector.shape_cast %parallel_loop3A_407 : vector<1x16xf32> to vector<16xf32>
        %parallel_loop3A_409 = arith.constant 16 : i32
        %parallel_loop3A_410 = arith.muli %parallel_loop3A_390, %parallel_loop3A_409 : i32
        %parallel_loop3A_411 = arith.constant 2 : i32
        %parallel_loop3A_412 = arith.index_cast %parallel_loop3A_411 : i32 to index
        %parallel_loop3A_413 = arith.index_cast %parallel_loop3A_410 : i32 to index
        %parallel_loop3A_414 = tpu.vector_load %arg10[%parallel_loop3A_412, %parallel_loop3A_413] {strides = array<i32>} : memref<3x4096xf32, #tpu.memory_space<vmem>>, vector<1x16xf32>,
        %parallel_loop3A_415 = vector.shape_cast %parallel_loop3A_414 : vector<1x16xf32> to vector<16xf32>
        %parallel_loop3A_416 = arith.constant 16 : i32
        %parallel_loop3A_417 = arith.muli %parallel_loop3A_390, %parallel_loop3A_416 : i32
        %parallel_loop3A_418 = arith.index_cast %parallel_loop3A_417 : i32 to index
        %parallel_loop3A_419 = tpu.vector_load %arg13[%parallel_loop3A_418] {strides = array<i32>} : memref<4096xf32, #tpu.memory_space<vmem>>, vector<16xf32>,
        %parallel_loop3A_420 = vector.shape_cast %parallel_loop3A_419 : vector<16xf32> to vector<16xf32>
        %parallel_loop3A_421 = vector.broadcast %squeeze3A : f32 to vector<16xf32>
        %parallel_loop3A_422 = arith.addf %parallel_loop3A_420, %parallel_loop3A_421 : vector<16xf32>
        %parallel_loop3A_423 = vector.broadcast %squeeze3A_81 : f32 to vector<16xf32>
        %parallel_loop3A_424 = arith.mulf %parallel_loop3A_423, %parallel_loop3A_401 : vector<16xf32>
        %parallel_loop3A_425 = arith.addf %parallel_loop3A_422, %parallel_loop3A_424 : vector<16xf32>
        %parallel_loop3A_426 = vector.broadcast %squeeze3A_89 : f32 to vector<16xf32>
        %parallel_loop3A_427 = arith.mulf %parallel_loop3A_426, %parallel_loop3A_408 : vector<16xf32>
        %parallel_loop3A_428 = vector.broadcast %squeeze3A_97 : f32 to vector<16xf32>
        %parallel_loop3A_429 = arith.mulf %parallel_loop3A_428, %parallel_loop3A_415 : vector<16xf32>
        %parallel_loop3A_430 = arith.addf %parallel_loop3A_427, %parallel_loop3A_429 : vector<16xf32>
        %parallel_loop3A_431 = arith.addf %parallel_loop3A_425, %parallel_loop3A_430 : vector<16xf32>
        %parallel_loop3A_432 = arith.minimumf %parallel_loop3A_391, %parallel_loop3A_431 : vector<16xf32>
        %parallel_loop3A_433 = vector.broadcast %squeeze3A_75 : f32 to vector<16xf32>
        %parallel_loop3A_434 = arith.addf %parallel_loop3A_420, %parallel_loop3A_433 : vector<16xf32>
        %parallel_loop3A_435 = vector.broadcast %squeeze3A_83 : f32 to vector<16xf32>
        %parallel_loop3A_436 = arith.mulf %parallel_loop3A_435, %parallel_loop3A_401 : vector<16xf32>
        %parallel_loop3A_437 = arith.addf %parallel_loop3A_434, %parallel_loop3A_436 : vector<16xf32>
        %parallel_loop3A_438 = vector.broadcast %squeeze3A_91 : f32 to vector<16xf32>
        %parallel_loop3A_439 = arith.mulf %parallel_loop3A_438, %parallel_loop3A_408 : vector<16xf32>
        %parallel_loop3A_440 = vector.broadcast %squeeze3A_99 : f32 to vector<16xf32>
        %parallel_loop3A_441 = arith.mulf %parallel_loop3A_440, %parallel_loop3A_415 : vector<16xf32>
        %parallel_loop3A_442 = arith.addf %parallel_loop3A_439, %parallel_loop3A_441 : vector<16xf32>
        %parallel_loop3A_443 = arith.addf %parallel_loop3A_437, %parallel_loop3A_442 : vector<16xf32>
        %parallel_loop3A_444 = arith.minimumf %parallel_loop3A_392, %parallel_loop3A_443 : vector<16xf32>
        %parallel_loop3A_445 = vector.broadcast %squeeze3A_77 : f32 to vector<16xf32>
        %parallel_loop3A_446 = arith.addf %parallel_loop3A_420, %parallel_loop3A_445 : vector<16xf32>
        %parallel_loop3A_447 = vector.broadcast %squeeze3A_85 : f32 to vector<16xf32>
        %parallel_loop3A_448 = arith.mulf %parallel_loop3A_447, %parallel_loop3A_401 : vector<16xf32>
        %parallel_loop3A_449 = arith.addf %parallel_loop3A_446, %parallel_loop3A_448 : vector<16xf32>
        %parallel_loop3A_450 = vector.broadcast %squeeze3A_93 : f32 to vector<16xf32>
        %parallel_loop3A_451 = arith.mulf %parallel_loop3A_450, %parallel_loop3A_408 : vector<16xf32>
        %parallel_loop3A_452 = vector.broadcast %squeeze3A_101 : f32 to vector<16xf32>
        %parallel_loop3A_453 = arith.mulf %parallel_loop3A_452, %parallel_loop3A_415 : vector<16xf32>
        %parallel_loop3A_454 = arith.addf %parallel_loop3A_451, %parallel_loop3A_453 : vector<16xf32>
        %parallel_loop3A_455 = arith.addf %parallel_loop3A_449, %parallel_loop3A_454 : vector<16xf32>
        %parallel_loop3A_456 = arith.minimumf %parallel_loop3A_393, %parallel_loop3A_455 : vector<16xf32>
        %parallel_loop3A_457 = vector.broadcast %squeeze3A_79 : f32 to vector<16xf32>
        %parallel_loop3A_458 = arith.addf %parallel_loop3A_420, %parallel_loop3A_457 : vector<16xf32>
        %parallel_loop3A_459 = vector.broadcast %squeeze3A_87 : f32 to vector<16xf32>
        %parallel_loop3A_460 = arith.mulf %parallel_loop3A_459, %parallel_loop3A_401 : vector<16xf32>
        %parallel_loop3A_461 = arith.addf %parallel_loop3A_458, %parallel_loop3A_460 : vector<16xf32>
        %parallel_loop3A_462 = vector.broadcast %squeeze3A_95 : f32 to vector<16xf32>
        %parallel_loop3A_463 = arith.mulf %parallel_loop3A_462, %parallel_loop3A_408 : vector<16xf32>
        %parallel_loop3A_464 = vector.broadcast %squeeze3A_103 : f32 to vector<16xf32>
        %parallel_loop3A_465 = arith.mulf %parallel_loop3A_464, %parallel_loop3A_415 : vector<16xf32>
        %parallel_loop3A_466 = arith.addf %parallel_loop3A_463, %parallel_loop3A_465 : vector<16xf32>
        %parallel_loop3A_467 = arith.addf %parallel_loop3A_461, %parallel_loop3A_466 : vector<16xf32>
        %parallel_loop3A_468 = arith.minimumf %parallel_loop3A_394, %parallel_loop3A_467 : vector<16xf32>
        %parallel_loop3A_469 = arith.minimumf %parallel_loop3A_431, %parallel_loop3A_443 : vector<16xf32>
        %parallel_loop3A_470 = arith.minimumf %parallel_loop3A_455, %parallel_loop3A_467 : vector<16xf32>
        %parallel_loop3A_471 = arith.minimumf %parallel_loop3A_469, %parallel_loop3A_470 : vector<16xf32>
        %parallel_loop3A_472 = arith.constant 16 : i32
        %parallel_loop3A_473 = arith.muli %parallel_loop3A_390, %parallel_loop3A_472 : i32
        %parallel_loop3A_474 = arith.index_cast %parallel_loop3A_473 : i32 to index
        %parallel_loop3A_475 = tpu.vector_load %arg14[%parallel_loop3A_474] {strides = array<i32>} : memref<4096xf32, #tpu.memory_space<vmem>>, vector<16xf32>,
        %parallel_loop3A_476 = vector.shape_cast %parallel_loop3A_475 : vector<16xf32> to vector<16xf32>
        %parallel_loop3A_477 = arith.minimumf %parallel_loop3A_476, %parallel_loop3A_471 : vector<16xf32>
        %parallel_loop3A_478 = arith.constant 16 : i32
        %parallel_loop3A_479 = arith.muli %parallel_loop3A_390, %parallel_loop3A_478 : i32
        %parallel_loop3A_480 = arith.index_cast %parallel_loop3A_479 : i32 to index
        %parallel_loop3A_481 = tpu.vector_load %arg14[%parallel_loop3A_480] {strides = array<i32>} : memref<4096xf32, #tpu.memory_space<vmem>>, vector<16xf32>,
        %parallel_loop3A_482 = vector.shape_cast %parallel_loop3A_481 : vector<16xf32> to vector<16xf32>
        %parallel_loop3A_483 = vector.shape_cast %parallel_loop3A_477 : vector<16xf32> to vector<16xf32>
        tpu.vector_store %arg14[%parallel_loop3A_480], %parallel_loop3A_483 {strides = array<i32>} : memref<4096xf32, #tpu.memory_space<vmem>>, vector<16xf32>,
        scf.yield %parallel_loop3A_432, %parallel_loop3A_444, %parallel_loop3A_456, %parallel_loop3A_468 : vector<16xf32>, vector<16xf32>, vector<16xf32>, vector<16xf32>
      } {sc.loop_unroll_factor = 8 : i64, sc.parallel_access}
      %add3A_114 = arith.constant 0 : i32
      %add3A_115 = arith.addi %mul3A_56, %add3A_114 : i32
      %add3A_116 = arith.constant 0 : i32
      %add3A_117 = arith.addi %add3A_115, %add3A_116 : i32
      %swap3A = arith.index_cast %add3A_117 : i32 to index
      %swap3A_118 = arith.constant 0 : index
      %swap3A_119 = tpu.vector_load %arg15[%swap3A, %swap3A_118] {strides = array<i32>} : memref<32x16xf32, #tpu.memory_space<vmem>>, vector<1x16xf32>,
      %swap3A_120 = vector.shape_cast %swap3A_119 : vector<1x16xf32> to vector<16xf32>
      %swap3A_121 = vector.shape_cast %parallel_loop3A_113#0 : vector<16xf32> to vector<1x16xf32>
      tpu.vector_store %arg15[%swap3A, %swap3A_118], %swap3A_121 {strides = array<i32>} : memref<32x16xf32, #tpu.memory_space<vmem>>, vector<1x16xf32>,
      %add3A_122 = arith.constant 0 : i32
      %add3A_123 = arith.addi %mul3A_56, %add3A_122 : i32
      %add3A_124 = arith.constant 1 : i32
      %add3A_125 = arith.addi %add3A_123, %add3A_124 : i32
      %swap3A_126 = arith.index_cast %add3A_125 : i32 to index
      %swap3A_127 = arith.constant 0 : index
      %swap3A_128 = tpu.vector_load %arg15[%swap3A_126, %swap3A_127] {strides = array<i32>} : memref<32x16xf32, #tpu.memory_space<vmem>>, vector<1x16xf32>,
      %swap3A_129 = vector.shape_cast %swap3A_128 : vector<1x16xf32> to vector<16xf32>
      %swap3A_130 = vector.shape_cast %parallel_loop3A_113#1 : vector<16xf32> to vector<1x16xf32>
      tpu.vector_store %arg15[%swap3A_126, %swap3A_127], %swap3A_130 {strides = array<i32>} : memref<32x16xf32, #tpu.memory_space<vmem>>, vector<1x16xf32>,
      %add3A_131 = arith.constant 0 : i32
      %add3A_132 = arith.addi %mul3A_56, %add3A_131 : i32
      %add3A_133 = arith.constant 2 : i32
      %add3A_134 = arith.addi %add3A_132, %add3A_133 : i32
      %swap3A_135 = arith.index_cast %add3A_134 : i32 to index
      %swap3A_136 = arith.constant 0 : index
      %swap3A_137 = tpu.vector_load %arg15[%swap3A_135, %swap3A_136] {strides = array<i32>} : memref<32x16xf32, #tpu.memory_space<vmem>>, vector<1x16xf32>,
      %swap3A_138 = vector.shape_cast %swap3A_137 : vector<1x16xf32> to vector<16xf32>
      %swap3A_139 = vector.shape_cast %parallel_loop3A_113#2 : vector<16xf32> to vector<1x16xf32>
      tpu.vector_store %arg15[%swap3A_135, %swap3A_136], %swap3A_139 {strides = array<i32>} : memref<32x16xf32, #tpu.memory_space<vmem>>, vector<1x16xf32>,
      %add3A_140 = arith.constant 0 : i32
      %add3A_141 = arith.addi %mul3A_56, %add3A_140 : i32
      %add3A_142 = arith.constant 3 : i32
      %add3A_143 = arith.addi %add3A_141, %add3A_142 : i32
      %swap3A_144 = arith.index_cast %add3A_143 : i32 to index
      %swap3A_145 = arith.constant 0 : index
      %swap3A_146 = tpu.vector_load %arg15[%swap3A_144, %swap3A_145] {strides = array<i32>} : memref<32x16xf32, #tpu.memory_space<vmem>>, vector<1x16xf32>,
      %swap3A_147 = vector.shape_cast %swap3A_146 : vector<1x16xf32> to vector<16xf32>
      %swap3A_148 = vector.shape_cast %parallel_loop3A_113#3 : vector<16xf32> to vector<1x16xf32>
      tpu.vector_store %arg15[%swap3A_144, %swap3A_145], %swap3A_148 {strides = array<i32>} : memref<32x16xf32, #tpu.memory_space<vmem>>, vector<1x16xf32>,
      %slice3A_149 = vector.extract_strided_slice %get3A_58 {offsets = [4], sizes = [1], strides = [1]} : vector<16xf32> to vector<1xf32>
      %squeeze3A_150 = vector.extract %slice3A_149[0] : f32 from vector<1xf32>
      %slice3A_151 = vector.extract_strided_slice %get3A_58 {offsets = [5], sizes = [1], strides = [1]} : vector<16xf32> to vector<1xf32>
      %squeeze3A_152 = vector.extract %slice3A_151[0] : f32 from vector<1xf32>
      %slice3A_153 = vector.extract_strided_slice %get3A_58 {offsets = [6], sizes = [1], strides = [1]} : vector<16xf32> to vector<1xf32>
      %squeeze3A_154 = vector.extract %slice3A_153[0] : f32 from vector<1xf32>
      %slice3A_155 = vector.extract_strided_slice %get3A_58 {offsets = [7], sizes = [1], strides = [1]} : vector<16xf32> to vector<1xf32>
      %squeeze3A_156 = vector.extract %slice3A_155[0] : f32 from vector<1xf32>
      %slice3A_157 = vector.extract_strided_slice %get3A_63 {offsets = [4], sizes = [1], strides = [1]} : vector<16xf32> to vector<1xf32>
      %squeeze3A_158 = vector.extract %slice3A_157[0] : f32 from vector<1xf32>
      %slice3A_159 = vector.extract_strided_slice %get3A_63 {offsets = [5], sizes = [1], strides = [1]} : vector<16xf32> to vector<1xf32>
      %squeeze3A_160 = vector.extract %slice3A_159[0] : f32 from vector<1xf32>
      %slice3A_161 = vector.extract_strided_slice %get3A_63 {offsets = [6], sizes = [1], strides = [1]} : vector<16xf32> to vector<1xf32>
      %squeeze3A_162 = vector.extract %slice3A_161[0] : f32 from vector<1xf32>
      %slice3A_163 = vector.extract_strided_slice %get3A_63 {offsets = [7], sizes = [1], strides = [1]} : vector<16xf32> to vector<1xf32>
      %squeeze3A_164 = vector.extract %slice3A_163[0] : f32 from vector<1xf32>
      %slice3A_165 = vector.extract_strided_slice %get3A_68 {offsets = [4], sizes = [1], strides = [1]} : vector<16xf32> to vector<1xf32>
      %squeeze3A_166 = vector.extract %slice3A_165[0] : f32 from vector<1xf32>
      %slice3A_167 = vector.extract_strided_slice %get3A_68 {offsets = [5], sizes = [1], strides = [1]} : vector<16xf32> to vector<1xf32>
      %squeeze3A_168 = vector.extract %slice3A_167[0] : f32 from vector<1xf32>
      %slice3A_169 = vector.extract_strided_slice %get3A_68 {offsets = [6], sizes = [1], strides = [1]} : vector<16xf32> to vector<1xf32>
      %squeeze3A_170 = vector.extract %slice3A_169[0] : f32 from vector<1xf32>
      %slice3A_171 = vector.extract_strided_slice %get3A_68 {offsets = [7], sizes = [1], strides = [1]} : vector<16xf32> to vector<1xf32>
      %squeeze3A_172 = vector.extract %slice3A_171[0] : f32 from vector<1xf32>
      %slice3A_173 = vector.extract_strided_slice %get3A_73 {offsets = [4], sizes = [1], strides = [1]} : vector<16xf32> to vector<1xf32>
      %squeeze3A_174 = vector.extract %slice3A_173[0] : f32 from vector<1xf32>
      %slice3A_175 = vector.extract_strided_slice %get3A_73 {offsets = [5], sizes = [1], strides = [1]} : vector<16xf32> to vector<1xf32>
      %squeeze3A_176 = vector.extract %slice3A_175[0] : f32 from vector<1xf32>
      %slice3A_177 = vector.extract_strided_slice %get3A_73 {offsets = [6], sizes = [1], strides = [1]} : vector<16xf32> to vector<1xf32>
      %squeeze3A_178 = vector.extract %slice3A_177[0] : f32 from vector<1xf32>
      %slice3A_179 = vector.extract_strided_slice %get3A_73 {offsets = [7], sizes = [1], strides = [1]} : vector<16xf32> to vector<1xf32>
      %squeeze3A_180 = vector.extract %slice3A_179[0] : f32 from vector<1xf32>
      %broadcast_in_dim3A_181 = arith.constant 3.000000e+38 : f32
      %broadcast_in_dim3A_182 = vector.broadcast %broadcast_in_dim3A_181 : f32 to vector<16xf32>
      %broadcast_in_dim3A_183 = arith.constant 3.000000e+38 : f32
      %broadcast_in_dim3A_184 = vector.broadcast %broadcast_in_dim3A_183 : f32 to vector<16xf32>
      %broadcast_in_dim3A_185 = arith.constant 3.000000e+38 : f32
      %broadcast_in_dim3A_186 = vector.broadcast %broadcast_in_dim3A_185 : f32 to vector<16xf32>
      %broadcast_in_dim3A_187 = arith.constant 3.000000e+38 : f32
      %broadcast_in_dim3A_188 = vector.broadcast %broadcast_in_dim3A_187 : f32 to vector<16xf32>
      %parallel_loop3A_189 = arith.constant 0 : i32
      %parallel_loop3A_190 = arith.constant 256 : i32
      %parallel_loop3A_191 = arith.constant 1 : i32
      %parallel_loop3A_192:4 = scf.for %parallel_loop3A_390 = %parallel_loop3A_189 to %parallel_loop3A_190 step %parallel_loop3A_191 iter_args(%parallel_loop3A_391 = %broadcast_in_dim3A_182, %parallel_loop3A_392 = %broadcast_in_dim3A_184, %parallel_loop3A_393 = %broadcast_in_dim3A_186, %parallel_loop3A_394 = %broadcast_in_dim3A_188) -> (vector<16xf32>, vector<16xf32>, vector<16xf32>, vector<16xf32>)  : i32 {
        %parallel_loop3A_395 = arith.constant 16 : i32
        %parallel_loop3A_396 = arith.muli %parallel_loop3A_390, %parallel_loop3A_395 : i32
        %parallel_loop3A_397 = arith.constant 0 : i32
        %parallel_loop3A_398 = arith.index_cast %parallel_loop3A_397 : i32 to index
        %parallel_loop3A_399 = arith.index_cast %parallel_loop3A_396 : i32 to index
        %parallel_loop3A_400 = tpu.vector_load %arg10[%parallel_loop3A_398, %parallel_loop3A_399] {strides = array<i32>} : memref<3x4096xf32, #tpu.memory_space<vmem>>, vector<1x16xf32>,
        %parallel_loop3A_401 = vector.shape_cast %parallel_loop3A_400 : vector<1x16xf32> to vector<16xf32>
        %parallel_loop3A_402 = arith.constant 16 : i32
        %parallel_loop3A_403 = arith.muli %parallel_loop3A_390, %parallel_loop3A_402 : i32
        %parallel_loop3A_404 = arith.constant 1 : i32
        %parallel_loop3A_405 = arith.index_cast %parallel_loop3A_404 : i32 to index
        %parallel_loop3A_406 = arith.index_cast %parallel_loop3A_403 : i32 to index
        %parallel_loop3A_407 = tpu.vector_load %arg10[%parallel_loop3A_405, %parallel_loop3A_406] {strides = array<i32>} : memref<3x4096xf32, #tpu.memory_space<vmem>>, vector<1x16xf32>,
        %parallel_loop3A_408 = vector.shape_cast %parallel_loop3A_407 : vector<1x16xf32> to vector<16xf32>
        %parallel_loop3A_409 = arith.constant 16 : i32
        %parallel_loop3A_410 = arith.muli %parallel_loop3A_390, %parallel_loop3A_409 : i32
        %parallel_loop3A_411 = arith.constant 2 : i32
        %parallel_loop3A_412 = arith.index_cast %parallel_loop3A_411 : i32 to index
        %parallel_loop3A_413 = arith.index_cast %parallel_loop3A_410 : i32 to index
        %parallel_loop3A_414 = tpu.vector_load %arg10[%parallel_loop3A_412, %parallel_loop3A_413] {strides = array<i32>} : memref<3x4096xf32, #tpu.memory_space<vmem>>, vector<1x16xf32>,
        %parallel_loop3A_415 = vector.shape_cast %parallel_loop3A_414 : vector<1x16xf32> to vector<16xf32>
        %parallel_loop3A_416 = arith.constant 16 : i32
        %parallel_loop3A_417 = arith.muli %parallel_loop3A_390, %parallel_loop3A_416 : i32
        %parallel_loop3A_418 = arith.index_cast %parallel_loop3A_417 : i32 to index
        %parallel_loop3A_419 = tpu.vector_load %arg13[%parallel_loop3A_418] {strides = array<i32>} : memref<4096xf32, #tpu.memory_space<vmem>>, vector<16xf32>,
        %parallel_loop3A_420 = vector.shape_cast %parallel_loop3A_419 : vector<16xf32> to vector<16xf32>
        %parallel_loop3A_421 = vector.broadcast %squeeze3A_150 : f32 to vector<16xf32>
        %parallel_loop3A_422 = arith.addf %parallel_loop3A_420, %parallel_loop3A_421 : vector<16xf32>
        %parallel_loop3A_423 = vector.broadcast %squeeze3A_158 : f32 to vector<16xf32>
        %parallel_loop3A_424 = arith.mulf %parallel_loop3A_423, %parallel_loop3A_401 : vector<16xf32>
        %parallel_loop3A_425 = arith.addf %parallel_loop3A_422, %parallel_loop3A_424 : vector<16xf32>
        %parallel_loop3A_426 = vector.broadcast %squeeze3A_166 : f32 to vector<16xf32>
        %parallel_loop3A_427 = arith.mulf %parallel_loop3A_426, %parallel_loop3A_408 : vector<16xf32>
        %parallel_loop3A_428 = vector.broadcast %squeeze3A_174 : f32 to vector<16xf32>
        %parallel_loop3A_429 = arith.mulf %parallel_loop3A_428, %parallel_loop3A_415 : vector<16xf32>
        %parallel_loop3A_430 = arith.addf %parallel_loop3A_427, %parallel_loop3A_429 : vector<16xf32>
        %parallel_loop3A_431 = arith.addf %parallel_loop3A_425, %parallel_loop3A_430 : vector<16xf32>
        %parallel_loop3A_432 = arith.minimumf %parallel_loop3A_391, %parallel_loop3A_431 : vector<16xf32>
        %parallel_loop3A_433 = vector.broadcast %squeeze3A_152 : f32 to vector<16xf32>
        %parallel_loop3A_434 = arith.addf %parallel_loop3A_420, %parallel_loop3A_433 : vector<16xf32>
        %parallel_loop3A_435 = vector.broadcast %squeeze3A_160 : f32 to vector<16xf32>
        %parallel_loop3A_436 = arith.mulf %parallel_loop3A_435, %parallel_loop3A_401 : vector<16xf32>
        %parallel_loop3A_437 = arith.addf %parallel_loop3A_434, %parallel_loop3A_436 : vector<16xf32>
        %parallel_loop3A_438 = vector.broadcast %squeeze3A_168 : f32 to vector<16xf32>
        %parallel_loop3A_439 = arith.mulf %parallel_loop3A_438, %parallel_loop3A_408 : vector<16xf32>
        %parallel_loop3A_440 = vector.broadcast %squeeze3A_176 : f32 to vector<16xf32>
        %parallel_loop3A_441 = arith.mulf %parallel_loop3A_440, %parallel_loop3A_415 : vector<16xf32>
        %parallel_loop3A_442 = arith.addf %parallel_loop3A_439, %parallel_loop3A_441 : vector<16xf32>
        %parallel_loop3A_443 = arith.addf %parallel_loop3A_437, %parallel_loop3A_442 : vector<16xf32>
        %parallel_loop3A_444 = arith.minimumf %parallel_loop3A_392, %parallel_loop3A_443 : vector<16xf32>
        %parallel_loop3A_445 = vector.broadcast %squeeze3A_154 : f32 to vector<16xf32>
        %parallel_loop3A_446 = arith.addf %parallel_loop3A_420, %parallel_loop3A_445 : vector<16xf32>
        %parallel_loop3A_447 = vector.broadcast %squeeze3A_162 : f32 to vector<16xf32>
        %parallel_loop3A_448 = arith.mulf %parallel_loop3A_447, %parallel_loop3A_401 : vector<16xf32>
        %parallel_loop3A_449 = arith.addf %parallel_loop3A_446, %parallel_loop3A_448 : vector<16xf32>
        %parallel_loop3A_450 = vector.broadcast %squeeze3A_170 : f32 to vector<16xf32>
        %parallel_loop3A_451 = arith.mulf %parallel_loop3A_450, %parallel_loop3A_408 : vector<16xf32>
        %parallel_loop3A_452 = vector.broadcast %squeeze3A_178 : f32 to vector<16xf32>
        %parallel_loop3A_453 = arith.mulf %parallel_loop3A_452, %parallel_loop3A_415 : vector<16xf32>
        %parallel_loop3A_454 = arith.addf %parallel_loop3A_451, %parallel_loop3A_453 : vector<16xf32>
        %parallel_loop3A_455 = arith.addf %parallel_loop3A_449, %parallel_loop3A_454 : vector<16xf32>
        %parallel_loop3A_456 = arith.minimumf %parallel_loop3A_393, %parallel_loop3A_455 : vector<16xf32>
        %parallel_loop3A_457 = vector.broadcast %squeeze3A_156 : f32 to vector<16xf32>
        %parallel_loop3A_458 = arith.addf %parallel_loop3A_420, %parallel_loop3A_457 : vector<16xf32>
        %parallel_loop3A_459 = vector.broadcast %squeeze3A_164 : f32 to vector<16xf32>
        %parallel_loop3A_460 = arith.mulf %parallel_loop3A_459, %parallel_loop3A_401 : vector<16xf32>
        %parallel_loop3A_461 = arith.addf %parallel_loop3A_458, %parallel_loop3A_460 : vector<16xf32>
        %parallel_loop3A_462 = vector.broadcast %squeeze3A_172 : f32 to vector<16xf32>
        %parallel_loop3A_463 = arith.mulf %parallel_loop3A_462, %parallel_loop3A_408 : vector<16xf32>
        %parallel_loop3A_464 = vector.broadcast %squeeze3A_180 : f32 to vector<16xf32>
        %parallel_loop3A_465 = arith.mulf %parallel_loop3A_464, %parallel_loop3A_415 : vector<16xf32>
        %parallel_loop3A_466 = arith.addf %parallel_loop3A_463, %parallel_loop3A_465 : vector<16xf32>
        %parallel_loop3A_467 = arith.addf %parallel_loop3A_461, %parallel_loop3A_466 : vector<16xf32>
        %parallel_loop3A_468 = arith.minimumf %parallel_loop3A_394, %parallel_loop3A_467 : vector<16xf32>
        %parallel_loop3A_469 = arith.minimumf %parallel_loop3A_431, %parallel_loop3A_443 : vector<16xf32>
        %parallel_loop3A_470 = arith.minimumf %parallel_loop3A_455, %parallel_loop3A_467 : vector<16xf32>
        %parallel_loop3A_471 = arith.minimumf %parallel_loop3A_469, %parallel_loop3A_470 : vector<16xf32>
        %parallel_loop3A_472 = arith.constant 16 : i32
        %parallel_loop3A_473 = arith.muli %parallel_loop3A_390, %parallel_loop3A_472 : i32
        %parallel_loop3A_474 = arith.index_cast %parallel_loop3A_473 : i32 to index
        %parallel_loop3A_475 = tpu.vector_load %arg14[%parallel_loop3A_474] {strides = array<i32>} : memref<4096xf32, #tpu.memory_space<vmem>>, vector<16xf32>,
        %parallel_loop3A_476 = vector.shape_cast %parallel_loop3A_475 : vector<16xf32> to vector<16xf32>
        %parallel_loop3A_477 = arith.minimumf %parallel_loop3A_476, %parallel_loop3A_471 : vector<16xf32>
        %parallel_loop3A_478 = arith.constant 16 : i32
        %parallel_loop3A_479 = arith.muli %parallel_loop3A_390, %parallel_loop3A_478 : i32
        %parallel_loop3A_480 = arith.index_cast %parallel_loop3A_479 : i32 to index
        %parallel_loop3A_481 = tpu.vector_load %arg14[%parallel_loop3A_480] {strides = array<i32>} : memref<4096xf32, #tpu.memory_space<vmem>>, vector<16xf32>,
        %parallel_loop3A_482 = vector.shape_cast %parallel_loop3A_481 : vector<16xf32> to vector<16xf32>
        %parallel_loop3A_483 = vector.shape_cast %parallel_loop3A_477 : vector<16xf32> to vector<16xf32>
        tpu.vector_store %arg14[%parallel_loop3A_480], %parallel_loop3A_483 {strides = array<i32>} : memref<4096xf32, #tpu.memory_space<vmem>>, vector<16xf32>,
        scf.yield %parallel_loop3A_432, %parallel_loop3A_444, %parallel_loop3A_456, %parallel_loop3A_468 : vector<16xf32>, vector<16xf32>, vector<16xf32>, vector<16xf32>
      } {sc.loop_unroll_factor = 8 : i64, sc.parallel_access}
      %add3A_193 = arith.constant 4 : i32
      %add3A_194 = arith.addi %mul3A_56, %add3A_193 : i32
      %add3A_195 = arith.constant 0 : i32
      %add3A_196 = arith.addi %add3A_194, %add3A_195 : i32
      %swap3A_197 = arith.index_cast %add3A_196 : i32 to index
      %swap3A_198 = arith.constant 0 : index
      %swap3A_199 = tpu.vector_load %arg15[%swap3A_197, %swap3A_198] {strides = array<i32>} : memref<32x16xf32, #tpu.memory_space<vmem>>, vector<1x16xf32>,
      %swap3A_200 = vector.shape_cast %swap3A_199 : vector<1x16xf32> to vector<16xf32>
      %swap3A_201 = vector.shape_cast %parallel_loop3A_192#0 : vector<16xf32> to vector<1x16xf32>
      tpu.vector_store %arg15[%swap3A_197, %swap3A_198], %swap3A_201 {strides = array<i32>} : memref<32x16xf32, #tpu.memory_space<vmem>>, vector<1x16xf32>,
      %add3A_202 = arith.constant 4 : i32
      %add3A_203 = arith.addi %mul3A_56, %add3A_202 : i32
      %add3A_204 = arith.constant 1 : i32
      %add3A_205 = arith.addi %add3A_203, %add3A_204 : i32
      %swap3A_206 = arith.index_cast %add3A_205 : i32 to index
      %swap3A_207 = arith.constant 0 : index
      %swap3A_208 = tpu.vector_load %arg15[%swap3A_206, %swap3A_207] {strides = array<i32>} : memref<32x16xf32, #tpu.memory_space<vmem>>, vector<1x16xf32>,
      %swap3A_209 = vector.shape_cast %swap3A_208 : vector<1x16xf32> to vector<16xf32>
      %swap3A_210 = vector.shape_cast %parallel_loop3A_192#1 : vector<16xf32> to vector<1x16xf32>
      tpu.vector_store %arg15[%swap3A_206, %swap3A_207], %swap3A_210 {strides = array<i32>} : memref<32x16xf32, #tpu.memory_space<vmem>>, vector<1x16xf32>,
      %add3A_211 = arith.constant 4 : i32
      %add3A_212 = arith.addi %mul3A_56, %add3A_211 : i32
      %add3A_213 = arith.constant 2 : i32
      %add3A_214 = arith.addi %add3A_212, %add3A_213 : i32
      %swap3A_215 = arith.index_cast %add3A_214 : i32 to index
      %swap3A_216 = arith.constant 0 : index
      %swap3A_217 = tpu.vector_load %arg15[%swap3A_215, %swap3A_216] {strides = array<i32>} : memref<32x16xf32, #tpu.memory_space<vmem>>, vector<1x16xf32>,
      %swap3A_218 = vector.shape_cast %swap3A_217 : vector<1x16xf32> to vector<16xf32>
      %swap3A_219 = vector.shape_cast %parallel_loop3A_192#2 : vector<16xf32> to vector<1x16xf32>
      tpu.vector_store %arg15[%swap3A_215, %swap3A_216], %swap3A_219 {strides = array<i32>} : memref<32x16xf32, #tpu.memory_space<vmem>>, vector<1x16xf32>,
      %add3A_220 = arith.constant 4 : i32
      %add3A_221 = arith.addi %mul3A_56, %add3A_220 : i32
      %add3A_222 = arith.constant 3 : i32
      %add3A_223 = arith.addi %add3A_221, %add3A_222 : i32
      %swap3A_224 = arith.index_cast %add3A_223 : i32 to index
      %swap3A_225 = arith.constant 0 : index
      %swap3A_226 = tpu.vector_load %arg15[%swap3A_224, %swap3A_225] {strides = array<i32>} : memref<32x16xf32, #tpu.memory_space<vmem>>, vector<1x16xf32>,
      %swap3A_227 = vector.shape_cast %swap3A_226 : vector<1x16xf32> to vector<16xf32>
      %swap3A_228 = vector.shape_cast %parallel_loop3A_192#3 : vector<16xf32> to vector<1x16xf32>
      tpu.vector_store %arg15[%swap3A_224, %swap3A_225], %swap3A_228 {strides = array<i32>} : memref<32x16xf32, #tpu.memory_space<vmem>>, vector<1x16xf32>,
      %slice3A_229 = vector.extract_strided_slice %get3A_58 {offsets = [8], sizes = [1], strides = [1]} : vector<16xf32> to vector<1xf32>
      %squeeze3A_230 = vector.extract %slice3A_229[0] : f32 from vector<1xf32>
      %slice3A_231 = vector.extract_strided_slice %get3A_58 {offsets = [9], sizes = [1], strides = [1]} : vector<16xf32> to vector<1xf32>
      %squeeze3A_232 = vector.extract %slice3A_231[0] : f32 from vector<1xf32>
      %slice3A_233 = vector.extract_strided_slice %get3A_58 {offsets = [10], sizes = [1], strides = [1]} : vector<16xf32> to vector<1xf32>
      %squeeze3A_234 = vector.extract %slice3A_233[0] : f32 from vector<1xf32>
      %slice3A_235 = vector.extract_strided_slice %get3A_58 {offsets = [11], sizes = [1], strides = [1]} : vector<16xf32> to vector<1xf32>
      %squeeze3A_236 = vector.extract %slice3A_235[0] : f32 from vector<1xf32>
      %slice3A_237 = vector.extract_strided_slice %get3A_63 {offsets = [8], sizes = [1], strides = [1]} : vector<16xf32> to vector<1xf32>
      %squeeze3A_238 = vector.extract %slice3A_237[0] : f32 from vector<1xf32>
      %slice3A_239 = vector.extract_strided_slice %get3A_63 {offsets = [9], sizes = [1], strides = [1]} : vector<16xf32> to vector<1xf32>
      %squeeze3A_240 = vector.extract %slice3A_239[0] : f32 from vector<1xf32>
      %slice3A_241 = vector.extract_strided_slice %get3A_63 {offsets = [10], sizes = [1], strides = [1]} : vector<16xf32> to vector<1xf32>
      %squeeze3A_242 = vector.extract %slice3A_241[0] : f32 from vector<1xf32>
      %slice3A_243 = vector.extract_strided_slice %get3A_63 {offsets = [11], sizes = [1], strides = [1]} : vector<16xf32> to vector<1xf32>
      %squeeze3A_244 = vector.extract %slice3A_243[0] : f32 from vector<1xf32>
      %slice3A_245 = vector.extract_strided_slice %get3A_68 {offsets = [8], sizes = [1], strides = [1]} : vector<16xf32> to vector<1xf32>
      %squeeze3A_246 = vector.extract %slice3A_245[0] : f32 from vector<1xf32>
      %slice3A_247 = vector.extract_strided_slice %get3A_68 {offsets = [9], sizes = [1], strides = [1]} : vector<16xf32> to vector<1xf32>
      %squeeze3A_248 = vector.extract %slice3A_247[0] : f32 from vector<1xf32>
      %slice3A_249 = vector.extract_strided_slice %get3A_68 {offsets = [10], sizes = [1], strides = [1]} : vector<16xf32> to vector<1xf32>
      %squeeze3A_250 = vector.extract %slice3A_249[0] : f32 from vector<1xf32>
      %slice3A_251 = vector.extract_strided_slice %get3A_68 {offsets = [11], sizes = [1], strides = [1]} : vector<16xf32> to vector<1xf32>
      %squeeze3A_252 = vector.extract %slice3A_251[0] : f32 from vector<1xf32>
      %slice3A_253 = vector.extract_strided_slice %get3A_73 {offsets = [8], sizes = [1], strides = [1]} : vector<16xf32> to vector<1xf32>
      %squeeze3A_254 = vector.extract %slice3A_253[0] : f32 from vector<1xf32>
      %slice3A_255 = vector.extract_strided_slice %get3A_73 {offsets = [9], sizes = [1], strides = [1]} : vector<16xf32> to vector<1xf32>
      %squeeze3A_256 = vector.extract %slice3A_255[0] : f32 from vector<1xf32>
      %slice3A_257 = vector.extract_strided_slice %get3A_73 {offsets = [10], sizes = [1], strides = [1]} : vector<16xf32> to vector<1xf32>
      %squeeze3A_258 = vector.extract %slice3A_257[0] : f32 from vector<1xf32>
      %slice3A_259 = vector.extract_strided_slice %get3A_73 {offsets = [11], sizes = [1], strides = [1]} : vector<16xf32> to vector<1xf32>
      %squeeze3A_260 = vector.extract %slice3A_259[0] : f32 from vector<1xf32>
      %broadcast_in_dim3A_261 = arith.constant 3.000000e+38 : f32
      %broadcast_in_dim3A_262 = vector.broadcast %broadcast_in_dim3A_261 : f32 to vector<16xf32>
      %broadcast_in_dim3A_263 = arith.constant 3.000000e+38 : f32
      %broadcast_in_dim3A_264 = vector.broadcast %broadcast_in_dim3A_263 : f32 to vector<16xf32>
      %broadcast_in_dim3A_265 = arith.constant 3.000000e+38 : f32
      %broadcast_in_dim3A_266 = vector.broadcast %broadcast_in_dim3A_265 : f32 to vector<16xf32>
      %broadcast_in_dim3A_267 = arith.constant 3.000000e+38 : f32
      %broadcast_in_dim3A_268 = vector.broadcast %broadcast_in_dim3A_267 : f32 to vector<16xf32>
      %parallel_loop3A_269 = arith.constant 0 : i32
      %parallel_loop3A_270 = arith.constant 256 : i32
      %parallel_loop3A_271 = arith.constant 1 : i32
      %parallel_loop3A_272:4 = scf.for %parallel_loop3A_390 = %parallel_loop3A_269 to %parallel_loop3A_270 step %parallel_loop3A_271 iter_args(%parallel_loop3A_391 = %broadcast_in_dim3A_262, %parallel_loop3A_392 = %broadcast_in_dim3A_264, %parallel_loop3A_393 = %broadcast_in_dim3A_266, %parallel_loop3A_394 = %broadcast_in_dim3A_268) -> (vector<16xf32>, vector<16xf32>, vector<16xf32>, vector<16xf32>)  : i32 {
        %parallel_loop3A_395 = arith.constant 16 : i32
        %parallel_loop3A_396 = arith.muli %parallel_loop3A_390, %parallel_loop3A_395 : i32
        %parallel_loop3A_397 = arith.constant 0 : i32
        %parallel_loop3A_398 = arith.index_cast %parallel_loop3A_397 : i32 to index
        %parallel_loop3A_399 = arith.index_cast %parallel_loop3A_396 : i32 to index
        %parallel_loop3A_400 = tpu.vector_load %arg10[%parallel_loop3A_398, %parallel_loop3A_399] {strides = array<i32>} : memref<3x4096xf32, #tpu.memory_space<vmem>>, vector<1x16xf32>,
        %parallel_loop3A_401 = vector.shape_cast %parallel_loop3A_400 : vector<1x16xf32> to vector<16xf32>
        %parallel_loop3A_402 = arith.constant 16 : i32
        %parallel_loop3A_403 = arith.muli %parallel_loop3A_390, %parallel_loop3A_402 : i32
        %parallel_loop3A_404 = arith.constant 1 : i32
        %parallel_loop3A_405 = arith.index_cast %parallel_loop3A_404 : i32 to index
        %parallel_loop3A_406 = arith.index_cast %parallel_loop3A_403 : i32 to index
        %parallel_loop3A_407 = tpu.vector_load %arg10[%parallel_loop3A_405, %parallel_loop3A_406] {strides = array<i32>} : memref<3x4096xf32, #tpu.memory_space<vmem>>, vector<1x16xf32>,
        %parallel_loop3A_408 = vector.shape_cast %parallel_loop3A_407 : vector<1x16xf32> to vector<16xf32>
        %parallel_loop3A_409 = arith.constant 16 : i32
        %parallel_loop3A_410 = arith.muli %parallel_loop3A_390, %parallel_loop3A_409 : i32
        %parallel_loop3A_411 = arith.constant 2 : i32
        %parallel_loop3A_412 = arith.index_cast %parallel_loop3A_411 : i32 to index
        %parallel_loop3A_413 = arith.index_cast %parallel_loop3A_410 : i32 to index
        %parallel_loop3A_414 = tpu.vector_load %arg10[%parallel_loop3A_412, %parallel_loop3A_413] {strides = array<i32>} : memref<3x4096xf32, #tpu.memory_space<vmem>>, vector<1x16xf32>,
        %parallel_loop3A_415 = vector.shape_cast %parallel_loop3A_414 : vector<1x16xf32> to vector<16xf32>
        %parallel_loop3A_416 = arith.constant 16 : i32
        %parallel_loop3A_417 = arith.muli %parallel_loop3A_390, %parallel_loop3A_416 : i32
        %parallel_loop3A_418 = arith.index_cast %parallel_loop3A_417 : i32 to index
        %parallel_loop3A_419 = tpu.vector_load %arg13[%parallel_loop3A_418] {strides = array<i32>} : memref<4096xf32, #tpu.memory_space<vmem>>, vector<16xf32>,
        %parallel_loop3A_420 = vector.shape_cast %parallel_loop3A_419 : vector<16xf32> to vector<16xf32>
        %parallel_loop3A_421 = vector.broadcast %squeeze3A_230 : f32 to vector<16xf32>
        %parallel_loop3A_422 = arith.addf %parallel_loop3A_420, %parallel_loop3A_421 : vector<16xf32>
        %parallel_loop3A_423 = vector.broadcast %squeeze3A_238 : f32 to vector<16xf32>
        %parallel_loop3A_424 = arith.mulf %parallel_loop3A_423, %parallel_loop3A_401 : vector<16xf32>
        %parallel_loop3A_425 = arith.addf %parallel_loop3A_422, %parallel_loop3A_424 : vector<16xf32>
        %parallel_loop3A_426 = vector.broadcast %squeeze3A_246 : f32 to vector<16xf32>
        %parallel_loop3A_427 = arith.mulf %parallel_loop3A_426, %parallel_loop3A_408 : vector<16xf32>
        %parallel_loop3A_428 = vector.broadcast %squeeze3A_254 : f32 to vector<16xf32>
        %parallel_loop3A_429 = arith.mulf %parallel_loop3A_428, %parallel_loop3A_415 : vector<16xf32>
        %parallel_loop3A_430 = arith.addf %parallel_loop3A_427, %parallel_loop3A_429 : vector<16xf32>
        %parallel_loop3A_431 = arith.addf %parallel_loop3A_425, %parallel_loop3A_430 : vector<16xf32>
        %parallel_loop3A_432 = arith.minimumf %parallel_loop3A_391, %parallel_loop3A_431 : vector<16xf32>
        %parallel_loop3A_433 = vector.broadcast %squeeze3A_232 : f32 to vector<16xf32>
        %parallel_loop3A_434 = arith.addf %parallel_loop3A_420, %parallel_loop3A_433 : vector<16xf32>
        %parallel_loop3A_435 = vector.broadcast %squeeze3A_240 : f32 to vector<16xf32>
        %parallel_loop3A_436 = arith.mulf %parallel_loop3A_435, %parallel_loop3A_401 : vector<16xf32>
        %parallel_loop3A_437 = arith.addf %parallel_loop3A_434, %parallel_loop3A_436 : vector<16xf32>
        %parallel_loop3A_438 = vector.broadcast %squeeze3A_248 : f32 to vector<16xf32>
        %parallel_loop3A_439 = arith.mulf %parallel_loop3A_438, %parallel_loop3A_408 : vector<16xf32>
        %parallel_loop3A_440 = vector.broadcast %squeeze3A_256 : f32 to vector<16xf32>
        %parallel_loop3A_441 = arith.mulf %parallel_loop3A_440, %parallel_loop3A_415 : vector<16xf32>
        %parallel_loop3A_442 = arith.addf %parallel_loop3A_439, %parallel_loop3A_441 : vector<16xf32>
        %parallel_loop3A_443 = arith.addf %parallel_loop3A_437, %parallel_loop3A_442 : vector<16xf32>
        %parallel_loop3A_444 = arith.minimumf %parallel_loop3A_392, %parallel_loop3A_443 : vector<16xf32>
        %parallel_loop3A_445 = vector.broadcast %squeeze3A_234 : f32 to vector<16xf32>
        %parallel_loop3A_446 = arith.addf %parallel_loop3A_420, %parallel_loop3A_445 : vector<16xf32>
        %parallel_loop3A_447 = vector.broadcast %squeeze3A_242 : f32 to vector<16xf32>
        %parallel_loop3A_448 = arith.mulf %parallel_loop3A_447, %parallel_loop3A_401 : vector<16xf32>
        %parallel_loop3A_449 = arith.addf %parallel_loop3A_446, %parallel_loop3A_448 : vector<16xf32>
        %parallel_loop3A_450 = vector.broadcast %squeeze3A_250 : f32 to vector<16xf32>
        %parallel_loop3A_451 = arith.mulf %parallel_loop3A_450, %parallel_loop3A_408 : vector<16xf32>
        %parallel_loop3A_452 = vector.broadcast %squeeze3A_258 : f32 to vector<16xf32>
        %parallel_loop3A_453 = arith.mulf %parallel_loop3A_452, %parallel_loop3A_415 : vector<16xf32>
        %parallel_loop3A_454 = arith.addf %parallel_loop3A_451, %parallel_loop3A_453 : vector<16xf32>
        %parallel_loop3A_455 = arith.addf %parallel_loop3A_449, %parallel_loop3A_454 : vector<16xf32>
        %parallel_loop3A_456 = arith.minimumf %parallel_loop3A_393, %parallel_loop3A_455 : vector<16xf32>
        %parallel_loop3A_457 = vector.broadcast %squeeze3A_236 : f32 to vector<16xf32>
        %parallel_loop3A_458 = arith.addf %parallel_loop3A_420, %parallel_loop3A_457 : vector<16xf32>
        %parallel_loop3A_459 = vector.broadcast %squeeze3A_244 : f32 to vector<16xf32>
        %parallel_loop3A_460 = arith.mulf %parallel_loop3A_459, %parallel_loop3A_401 : vector<16xf32>
        %parallel_loop3A_461 = arith.addf %parallel_loop3A_458, %parallel_loop3A_460 : vector<16xf32>
        %parallel_loop3A_462 = vector.broadcast %squeeze3A_252 : f32 to vector<16xf32>
        %parallel_loop3A_463 = arith.mulf %parallel_loop3A_462, %parallel_loop3A_408 : vector<16xf32>
        %parallel_loop3A_464 = vector.broadcast %squeeze3A_260 : f32 to vector<16xf32>
        %parallel_loop3A_465 = arith.mulf %parallel_loop3A_464, %parallel_loop3A_415 : vector<16xf32>
        %parallel_loop3A_466 = arith.addf %parallel_loop3A_463, %parallel_loop3A_465 : vector<16xf32>
        %parallel_loop3A_467 = arith.addf %parallel_loop3A_461, %parallel_loop3A_466 : vector<16xf32>
        %parallel_loop3A_468 = arith.minimumf %parallel_loop3A_394, %parallel_loop3A_467 : vector<16xf32>
        %parallel_loop3A_469 = arith.minimumf %parallel_loop3A_431, %parallel_loop3A_443 : vector<16xf32>
        %parallel_loop3A_470 = arith.minimumf %parallel_loop3A_455, %parallel_loop3A_467 : vector<16xf32>
        %parallel_loop3A_471 = arith.minimumf %parallel_loop3A_469, %parallel_loop3A_470 : vector<16xf32>
        %parallel_loop3A_472 = arith.constant 16 : i32
        %parallel_loop3A_473 = arith.muli %parallel_loop3A_390, %parallel_loop3A_472 : i32
        %parallel_loop3A_474 = arith.index_cast %parallel_loop3A_473 : i32 to index
        %parallel_loop3A_475 = tpu.vector_load %arg14[%parallel_loop3A_474] {strides = array<i32>} : memref<4096xf32, #tpu.memory_space<vmem>>, vector<16xf32>,
        %parallel_loop3A_476 = vector.shape_cast %parallel_loop3A_475 : vector<16xf32> to vector<16xf32>
        %parallel_loop3A_477 = arith.minimumf %parallel_loop3A_476, %parallel_loop3A_471 : vector<16xf32>
        %parallel_loop3A_478 = arith.constant 16 : i32
        %parallel_loop3A_479 = arith.muli %parallel_loop3A_390, %parallel_loop3A_478 : i32
        %parallel_loop3A_480 = arith.index_cast %parallel_loop3A_479 : i32 to index
        %parallel_loop3A_481 = tpu.vector_load %arg14[%parallel_loop3A_480] {strides = array<i32>} : memref<4096xf32, #tpu.memory_space<vmem>>, vector<16xf32>,
        %parallel_loop3A_482 = vector.shape_cast %parallel_loop3A_481 : vector<16xf32> to vector<16xf32>
        %parallel_loop3A_483 = vector.shape_cast %parallel_loop3A_477 : vector<16xf32> to vector<16xf32>
        tpu.vector_store %arg14[%parallel_loop3A_480], %parallel_loop3A_483 {strides = array<i32>} : memref<4096xf32, #tpu.memory_space<vmem>>, vector<16xf32>,
        scf.yield %parallel_loop3A_432, %parallel_loop3A_444, %parallel_loop3A_456, %parallel_loop3A_468 : vector<16xf32>, vector<16xf32>, vector<16xf32>, vector<16xf32>
      } {sc.loop_unroll_factor = 8 : i64, sc.parallel_access}
      %add3A_273 = arith.constant 8 : i32
      %add3A_274 = arith.addi %mul3A_56, %add3A_273 : i32
      %add3A_275 = arith.constant 0 : i32
      %add3A_276 = arith.addi %add3A_274, %add3A_275 : i32
      %swap3A_277 = arith.index_cast %add3A_276 : i32 to index
      %swap3A_278 = arith.constant 0 : index
      %swap3A_279 = tpu.vector_load %arg15[%swap3A_277, %swap3A_278] {strides = array<i32>} : memref<32x16xf32, #tpu.memory_space<vmem>>, vector<1x16xf32>,
      %swap3A_280 = vector.shape_cast %swap3A_279 : vector<1x16xf32> to vector<16xf32>
      %swap3A_281 = vector.shape_cast %parallel_loop3A_272#0 : vector<16xf32> to vector<1x16xf32>
      tpu.vector_store %arg15[%swap3A_277, %swap3A_278], %swap3A_281 {strides = array<i32>} : memref<32x16xf32, #tpu.memory_space<vmem>>, vector<1x16xf32>,
      %add3A_282 = arith.constant 8 : i32
      %add3A_283 = arith.addi %mul3A_56, %add3A_282 : i32
      %add3A_284 = arith.constant 1 : i32
      %add3A_285 = arith.addi %add3A_283, %add3A_284 : i32
      %swap3A_286 = arith.index_cast %add3A_285 : i32 to index
      %swap3A_287 = arith.constant 0 : index
      %swap3A_288 = tpu.vector_load %arg15[%swap3A_286, %swap3A_287] {strides = array<i32>} : memref<32x16xf32, #tpu.memory_space<vmem>>, vector<1x16xf32>,
      %swap3A_289 = vector.shape_cast %swap3A_288 : vector<1x16xf32> to vector<16xf32>
      %swap3A_290 = vector.shape_cast %parallel_loop3A_272#1 : vector<16xf32> to vector<1x16xf32>
      tpu.vector_store %arg15[%swap3A_286, %swap3A_287], %swap3A_290 {strides = array<i32>} : memref<32x16xf32, #tpu.memory_space<vmem>>, vector<1x16xf32>,
      %add3A_291 = arith.constant 8 : i32
      %add3A_292 = arith.addi %mul3A_56, %add3A_291 : i32
      %add3A_293 = arith.constant 2 : i32
      %add3A_294 = arith.addi %add3A_292, %add3A_293 : i32
      %swap3A_295 = arith.index_cast %add3A_294 : i32 to index
      %swap3A_296 = arith.constant 0 : index
      %swap3A_297 = tpu.vector_load %arg15[%swap3A_295, %swap3A_296] {strides = array<i32>} : memref<32x16xf32, #tpu.memory_space<vmem>>, vector<1x16xf32>,
      %swap3A_298 = vector.shape_cast %swap3A_297 : vector<1x16xf32> to vector<16xf32>
      %swap3A_299 = vector.shape_cast %parallel_loop3A_272#2 : vector<16xf32> to vector<1x16xf32>
      tpu.vector_store %arg15[%swap3A_295, %swap3A_296], %swap3A_299 {strides = array<i32>} : memref<32x16xf32, #tpu.memory_space<vmem>>, vector<1x16xf32>,
      %add3A_300 = arith.constant 8 : i32
      %add3A_301 = arith.addi %mul3A_56, %add3A_300 : i32
      %add3A_302 = arith.constant 3 : i32
      %add3A_303 = arith.addi %add3A_301, %add3A_302 : i32
      %swap3A_304 = arith.index_cast %add3A_303 : i32 to index
      %swap3A_305 = arith.constant 0 : index
      %swap3A_306 = tpu.vector_load %arg15[%swap3A_304, %swap3A_305] {strides = array<i32>} : memref<32x16xf32, #tpu.memory_space<vmem>>, vector<1x16xf32>,
      %swap3A_307 = vector.shape_cast %swap3A_306 : vector<1x16xf32> to vector<16xf32>
      %swap3A_308 = vector.shape_cast %parallel_loop3A_272#3 : vector<16xf32> to vector<1x16xf32>
      tpu.vector_store %arg15[%swap3A_304, %swap3A_305], %swap3A_308 {strides = array<i32>} : memref<32x16xf32, #tpu.memory_space<vmem>>, vector<1x16xf32>,
      %slice3A_309 = vector.extract_strided_slice %get3A_58 {offsets = [12], sizes = [1], strides = [1]} : vector<16xf32> to vector<1xf32>
      %squeeze3A_310 = vector.extract %slice3A_309[0] : f32 from vector<1xf32>
      %slice3A_311 = vector.extract_strided_slice %get3A_58 {offsets = [13], sizes = [1], strides = [1]} : vector<16xf32> to vector<1xf32>
      %squeeze3A_312 = vector.extract %slice3A_311[0] : f32 from vector<1xf32>
      %slice3A_313 = vector.extract_strided_slice %get3A_58 {offsets = [14], sizes = [1], strides = [1]} : vector<16xf32> to vector<1xf32>
      %squeeze3A_314 = vector.extract %slice3A_313[0] : f32 from vector<1xf32>
      %slice3A_315 = vector.extract_strided_slice %get3A_58 {offsets = [15], sizes = [1], strides = [1]} : vector<16xf32> to vector<1xf32>
      %squeeze3A_316 = vector.extract %slice3A_315[0] : f32 from vector<1xf32>
      %slice3A_317 = vector.extract_strided_slice %get3A_63 {offsets = [12], sizes = [1], strides = [1]} : vector<16xf32> to vector<1xf32>
      %squeeze3A_318 = vector.extract %slice3A_317[0] : f32 from vector<1xf32>
      %slice3A_319 = vector.extract_strided_slice %get3A_63 {offsets = [13], sizes = [1], strides = [1]} : vector<16xf32> to vector<1xf32>
      %squeeze3A_320 = vector.extract %slice3A_319[0] : f32 from vector<1xf32>
      %slice3A_321 = vector.extract_strided_slice %get3A_63 {offsets = [14], sizes = [1], strides = [1]} : vector<16xf32> to vector<1xf32>
      %squeeze3A_322 = vector.extract %slice3A_321[0] : f32 from vector<1xf32>
      %slice3A_323 = vector.extract_strided_slice %get3A_63 {offsets = [15], sizes = [1], strides = [1]} : vector<16xf32> to vector<1xf32>
      %squeeze3A_324 = vector.extract %slice3A_323[0] : f32 from vector<1xf32>
      %slice3A_325 = vector.extract_strided_slice %get3A_68 {offsets = [12], sizes = [1], strides = [1]} : vector<16xf32> to vector<1xf32>
      %squeeze3A_326 = vector.extract %slice3A_325[0] : f32 from vector<1xf32>
      %slice3A_327 = vector.extract_strided_slice %get3A_68 {offsets = [13], sizes = [1], strides = [1]} : vector<16xf32> to vector<1xf32>
      %squeeze3A_328 = vector.extract %slice3A_327[0] : f32 from vector<1xf32>
      %slice3A_329 = vector.extract_strided_slice %get3A_68 {offsets = [14], sizes = [1], strides = [1]} : vector<16xf32> to vector<1xf32>
      %squeeze3A_330 = vector.extract %slice3A_329[0] : f32 from vector<1xf32>
      %slice3A_331 = vector.extract_strided_slice %get3A_68 {offsets = [15], sizes = [1], strides = [1]} : vector<16xf32> to vector<1xf32>
      %squeeze3A_332 = vector.extract %slice3A_331[0] : f32 from vector<1xf32>
      %slice3A_333 = vector.extract_strided_slice %get3A_73 {offsets = [12], sizes = [1], strides = [1]} : vector<16xf32> to vector<1xf32>
      %squeeze3A_334 = vector.extract %slice3A_333[0] : f32 from vector<1xf32>
      %slice3A_335 = vector.extract_strided_slice %get3A_73 {offsets = [13], sizes = [1], strides = [1]} : vector<16xf32> to vector<1xf32>
      %squeeze3A_336 = vector.extract %slice3A_335[0] : f32 from vector<1xf32>
      %slice3A_337 = vector.extract_strided_slice %get3A_73 {offsets = [14], sizes = [1], strides = [1]} : vector<16xf32> to vector<1xf32>
      %squeeze3A_338 = vector.extract %slice3A_337[0] : f32 from vector<1xf32>
      %slice3A_339 = vector.extract_strided_slice %get3A_73 {offsets = [15], sizes = [1], strides = [1]} : vector<16xf32> to vector<1xf32>
      %squeeze3A_340 = vector.extract %slice3A_339[0] : f32 from vector<1xf32>
      %broadcast_in_dim3A_341 = arith.constant 3.000000e+38 : f32
      %broadcast_in_dim3A_342 = vector.broadcast %broadcast_in_dim3A_341 : f32 to vector<16xf32>
      %broadcast_in_dim3A_343 = arith.constant 3.000000e+38 : f32
      %broadcast_in_dim3A_344 = vector.broadcast %broadcast_in_dim3A_343 : f32 to vector<16xf32>
      %broadcast_in_dim3A_345 = arith.constant 3.000000e+38 : f32
      %broadcast_in_dim3A_346 = vector.broadcast %broadcast_in_dim3A_345 : f32 to vector<16xf32>
      %broadcast_in_dim3A_347 = arith.constant 3.000000e+38 : f32
      %broadcast_in_dim3A_348 = vector.broadcast %broadcast_in_dim3A_347 : f32 to vector<16xf32>
      %parallel_loop3A_349 = arith.constant 0 : i32
      %parallel_loop3A_350 = arith.constant 256 : i32
      %parallel_loop3A_351 = arith.constant 1 : i32
      %parallel_loop3A_352:4 = scf.for %parallel_loop3A_390 = %parallel_loop3A_349 to %parallel_loop3A_350 step %parallel_loop3A_351 iter_args(%parallel_loop3A_391 = %broadcast_in_dim3A_342, %parallel_loop3A_392 = %broadcast_in_dim3A_344, %parallel_loop3A_393 = %broadcast_in_dim3A_346, %parallel_loop3A_394 = %broadcast_in_dim3A_348) -> (vector<16xf32>, vector<16xf32>, vector<16xf32>, vector<16xf32>)  : i32 {
        %parallel_loop3A_395 = arith.constant 16 : i32
        %parallel_loop3A_396 = arith.muli %parallel_loop3A_390, %parallel_loop3A_395 : i32
        %parallel_loop3A_397 = arith.constant 0 : i32
        %parallel_loop3A_398 = arith.index_cast %parallel_loop3A_397 : i32 to index
        %parallel_loop3A_399 = arith.index_cast %parallel_loop3A_396 : i32 to index
        %parallel_loop3A_400 = tpu.vector_load %arg10[%parallel_loop3A_398, %parallel_loop3A_399] {strides = array<i32>} : memref<3x4096xf32, #tpu.memory_space<vmem>>, vector<1x16xf32>,
        %parallel_loop3A_401 = vector.shape_cast %parallel_loop3A_400 : vector<1x16xf32> to vector<16xf32>
        %parallel_loop3A_402 = arith.constant 16 : i32
        %parallel_loop3A_403 = arith.muli %parallel_loop3A_390, %parallel_loop3A_402 : i32
        %parallel_loop3A_404 = arith.constant 1 : i32
        %parallel_loop3A_405 = arith.index_cast %parallel_loop3A_404 : i32 to index
        %parallel_loop3A_406 = arith.index_cast %parallel_loop3A_403 : i32 to index
        %parallel_loop3A_407 = tpu.vector_load %arg10[%parallel_loop3A_405, %parallel_loop3A_406] {strides = array<i32>} : memref<3x4096xf32, #tpu.memory_space<vmem>>, vector<1x16xf32>,
        %parallel_loop3A_408 = vector.shape_cast %parallel_loop3A_407 : vector<1x16xf32> to vector<16xf32>
        %parallel_loop3A_409 = arith.constant 16 : i32
        %parallel_loop3A_410 = arith.muli %parallel_loop3A_390, %parallel_loop3A_409 : i32
        %parallel_loop3A_411 = arith.constant 2 : i32
        %parallel_loop3A_412 = arith.index_cast %parallel_loop3A_411 : i32 to index
        %parallel_loop3A_413 = arith.index_cast %parallel_loop3A_410 : i32 to index
        %parallel_loop3A_414 = tpu.vector_load %arg10[%parallel_loop3A_412, %parallel_loop3A_413] {strides = array<i32>} : memref<3x4096xf32, #tpu.memory_space<vmem>>, vector<1x16xf32>,
        %parallel_loop3A_415 = vector.shape_cast %parallel_loop3A_414 : vector<1x16xf32> to vector<16xf32>
        %parallel_loop3A_416 = arith.constant 16 : i32
        %parallel_loop3A_417 = arith.muli %parallel_loop3A_390, %parallel_loop3A_416 : i32
        %parallel_loop3A_418 = arith.index_cast %parallel_loop3A_417 : i32 to index
        %parallel_loop3A_419 = tpu.vector_load %arg13[%parallel_loop3A_418] {strides = array<i32>} : memref<4096xf32, #tpu.memory_space<vmem>>, vector<16xf32>,
        %parallel_loop3A_420 = vector.shape_cast %parallel_loop3A_419 : vector<16xf32> to vector<16xf32>
        %parallel_loop3A_421 = vector.broadcast %squeeze3A_310 : f32 to vector<16xf32>
        %parallel_loop3A_422 = arith.addf %parallel_loop3A_420, %parallel_loop3A_421 : vector<16xf32>
        %parallel_loop3A_423 = vector.broadcast %squeeze3A_318 : f32 to vector<16xf32>
        %parallel_loop3A_424 = arith.mulf %parallel_loop3A_423, %parallel_loop3A_401 : vector<16xf32>
        %parallel_loop3A_425 = arith.addf %parallel_loop3A_422, %parallel_loop3A_424 : vector<16xf32>
        %parallel_loop3A_426 = vector.broadcast %squeeze3A_326 : f32 to vector<16xf32>
        %parallel_loop3A_427 = arith.mulf %parallel_loop3A_426, %parallel_loop3A_408 : vector<16xf32>
        %parallel_loop3A_428 = vector.broadcast %squeeze3A_334 : f32 to vector<16xf32>
        %parallel_loop3A_429 = arith.mulf %parallel_loop3A_428, %parallel_loop3A_415 : vector<16xf32>
        %parallel_loop3A_430 = arith.addf %parallel_loop3A_427, %parallel_loop3A_429 : vector<16xf32>
        %parallel_loop3A_431 = arith.addf %parallel_loop3A_425, %parallel_loop3A_430 : vector<16xf32>
        %parallel_loop3A_432 = arith.minimumf %parallel_loop3A_391, %parallel_loop3A_431 : vector<16xf32>
        %parallel_loop3A_433 = vector.broadcast %squeeze3A_312 : f32 to vector<16xf32>
        %parallel_loop3A_434 = arith.addf %parallel_loop3A_420, %parallel_loop3A_433 : vector<16xf32>
        %parallel_loop3A_435 = vector.broadcast %squeeze3A_320 : f32 to vector<16xf32>
        %parallel_loop3A_436 = arith.mulf %parallel_loop3A_435, %parallel_loop3A_401 : vector<16xf32>
        %parallel_loop3A_437 = arith.addf %parallel_loop3A_434, %parallel_loop3A_436 : vector<16xf32>
        %parallel_loop3A_438 = vector.broadcast %squeeze3A_328 : f32 to vector<16xf32>
        %parallel_loop3A_439 = arith.mulf %parallel_loop3A_438, %parallel_loop3A_408 : vector<16xf32>
        %parallel_loop3A_440 = vector.broadcast %squeeze3A_336 : f32 to vector<16xf32>
        %parallel_loop3A_441 = arith.mulf %parallel_loop3A_440, %parallel_loop3A_415 : vector<16xf32>
        %parallel_loop3A_442 = arith.addf %parallel_loop3A_439, %parallel_loop3A_441 : vector<16xf32>
        %parallel_loop3A_443 = arith.addf %parallel_loop3A_437, %parallel_loop3A_442 : vector<16xf32>
        %parallel_loop3A_444 = arith.minimumf %parallel_loop3A_392, %parallel_loop3A_443 : vector<16xf32>
        %parallel_loop3A_445 = vector.broadcast %squeeze3A_314 : f32 to vector<16xf32>
        %parallel_loop3A_446 = arith.addf %parallel_loop3A_420, %parallel_loop3A_445 : vector<16xf32>
        %parallel_loop3A_447 = vector.broadcast %squeeze3A_322 : f32 to vector<16xf32>
        %parallel_loop3A_448 = arith.mulf %parallel_loop3A_447, %parallel_loop3A_401 : vector<16xf32>
        %parallel_loop3A_449 = arith.addf %parallel_loop3A_446, %parallel_loop3A_448 : vector<16xf32>
        %parallel_loop3A_450 = vector.broadcast %squeeze3A_330 : f32 to vector<16xf32>
        %parallel_loop3A_451 = arith.mulf %parallel_loop3A_450, %parallel_loop3A_408 : vector<16xf32>
        %parallel_loop3A_452 = vector.broadcast %squeeze3A_338 : f32 to vector<16xf32>
        %parallel_loop3A_453 = arith.mulf %parallel_loop3A_452, %parallel_loop3A_415 : vector<16xf32>
        %parallel_loop3A_454 = arith.addf %parallel_loop3A_451, %parallel_loop3A_453 : vector<16xf32>
        %parallel_loop3A_455 = arith.addf %parallel_loop3A_449, %parallel_loop3A_454 : vector<16xf32>
        %parallel_loop3A_456 = arith.minimumf %parallel_loop3A_393, %parallel_loop3A_455 : vector<16xf32>
        %parallel_loop3A_457 = vector.broadcast %squeeze3A_316 : f32 to vector<16xf32>
        %parallel_loop3A_458 = arith.addf %parallel_loop3A_420, %parallel_loop3A_457 : vector<16xf32>
        %parallel_loop3A_459 = vector.broadcast %squeeze3A_324 : f32 to vector<16xf32>
        %parallel_loop3A_460 = arith.mulf %parallel_loop3A_459, %parallel_loop3A_401 : vector<16xf32>
        %parallel_loop3A_461 = arith.addf %parallel_loop3A_458, %parallel_loop3A_460 : vector<16xf32>
        %parallel_loop3A_462 = vector.broadcast %squeeze3A_332 : f32 to vector<16xf32>
        %parallel_loop3A_463 = arith.mulf %parallel_loop3A_462, %parallel_loop3A_408 : vector<16xf32>
        %parallel_loop3A_464 = vector.broadcast %squeeze3A_340 : f32 to vector<16xf32>
        %parallel_loop3A_465 = arith.mulf %parallel_loop3A_464, %parallel_loop3A_415 : vector<16xf32>
        %parallel_loop3A_466 = arith.addf %parallel_loop3A_463, %parallel_loop3A_465 : vector<16xf32>
        %parallel_loop3A_467 = arith.addf %parallel_loop3A_461, %parallel_loop3A_466 : vector<16xf32>
        %parallel_loop3A_468 = arith.minimumf %parallel_loop3A_394, %parallel_loop3A_467 : vector<16xf32>
        %parallel_loop3A_469 = arith.minimumf %parallel_loop3A_431, %parallel_loop3A_443 : vector<16xf32>
        %parallel_loop3A_470 = arith.minimumf %parallel_loop3A_455, %parallel_loop3A_467 : vector<16xf32>
        %parallel_loop3A_471 = arith.minimumf %parallel_loop3A_469, %parallel_loop3A_470 : vector<16xf32>
        %parallel_loop3A_472 = arith.constant 16 : i32
        %parallel_loop3A_473 = arith.muli %parallel_loop3A_390, %parallel_loop3A_472 : i32
        %parallel_loop3A_474 = arith.index_cast %parallel_loop3A_473 : i32 to index
        %parallel_loop3A_475 = tpu.vector_load %arg14[%parallel_loop3A_474] {strides = array<i32>} : memref<4096xf32, #tpu.memory_space<vmem>>, vector<16xf32>,
        %parallel_loop3A_476 = vector.shape_cast %parallel_loop3A_475 : vector<16xf32> to vector<16xf32>
        %parallel_loop3A_477 = arith.minimumf %parallel_loop3A_476, %parallel_loop3A_471 : vector<16xf32>
        %parallel_loop3A_478 = arith.constant 16 : i32
        %parallel_loop3A_479 = arith.muli %parallel_loop3A_390, %parallel_loop3A_478 : i32
        %parallel_loop3A_480 = arith.index_cast %parallel_loop3A_479 : i32 to index
        %parallel_loop3A_481 = tpu.vector_load %arg14[%parallel_loop3A_480] {strides = array<i32>} : memref<4096xf32, #tpu.memory_space<vmem>>, vector<16xf32>,
        %parallel_loop3A_482 = vector.shape_cast %parallel_loop3A_481 : vector<16xf32> to vector<16xf32>
        %parallel_loop3A_483 = vector.shape_cast %parallel_loop3A_477 : vector<16xf32> to vector<16xf32>
        tpu.vector_store %arg14[%parallel_loop3A_480], %parallel_loop3A_483 {strides = array<i32>} : memref<4096xf32, #tpu.memory_space<vmem>>, vector<16xf32>,
        scf.yield %parallel_loop3A_432, %parallel_loop3A_444, %parallel_loop3A_456, %parallel_loop3A_468 : vector<16xf32>, vector<16xf32>, vector<16xf32>, vector<16xf32>
      } {sc.loop_unroll_factor = 8 : i64, sc.parallel_access}
      %add3A_353 = arith.constant 12 : i32
      %add3A_354 = arith.addi %mul3A_56, %add3A_353 : i32
      %add3A_355 = arith.constant 0 : i32
      %add3A_356 = arith.addi %add3A_354, %add3A_355 : i32
      %swap3A_357 = arith.index_cast %add3A_356 : i32 to index
      %swap3A_358 = arith.constant 0 : index
      %swap3A_359 = tpu.vector_load %arg15[%swap3A_357, %swap3A_358] {strides = array<i32>} : memref<32x16xf32, #tpu.memory_space<vmem>>, vector<1x16xf32>,
      %swap3A_360 = vector.shape_cast %swap3A_359 : vector<1x16xf32> to vector<16xf32>
      %swap3A_361 = vector.shape_cast %parallel_loop3A_352#0 : vector<16xf32> to vector<1x16xf32>
      tpu.vector_store %arg15[%swap3A_357, %swap3A_358], %swap3A_361 {strides = array<i32>} : memref<32x16xf32, #tpu.memory_space<vmem>>, vector<1x16xf32>,
      %add3A_362 = arith.constant 12 : i32
      %add3A_363 = arith.addi %mul3A_56, %add3A_362 : i32
      %add3A_364 = arith.constant 1 : i32
      %add3A_365 = arith.addi %add3A_363, %add3A_364 : i32
      %swap3A_366 = arith.index_cast %add3A_365 : i32 to index
      %swap3A_367 = arith.constant 0 : index
      %swap3A_368 = tpu.vector_load %arg15[%swap3A_366, %swap3A_367] {strides = array<i32>} : memref<32x16xf32, #tpu.memory_space<vmem>>, vector<1x16xf32>,
      %swap3A_369 = vector.shape_cast %swap3A_368 : vector<1x16xf32> to vector<16xf32>
      %swap3A_370 = vector.shape_cast %parallel_loop3A_352#1 : vector<16xf32> to vector<1x16xf32>
      tpu.vector_store %arg15[%swap3A_366, %swap3A_367], %swap3A_370 {strides = array<i32>} : memref<32x16xf32, #tpu.memory_space<vmem>>, vector<1x16xf32>,
      %add3A_371 = arith.constant 12 : i32
      %add3A_372 = arith.addi %mul3A_56, %add3A_371 : i32
      %add3A_373 = arith.constant 2 : i32
      %add3A_374 = arith.addi %add3A_372, %add3A_373 : i32
      %swap3A_375 = arith.index_cast %add3A_374 : i32 to index
      %swap3A_376 = arith.constant 0 : index
      %swap3A_377 = tpu.vector_load %arg15[%swap3A_375, %swap3A_376] {strides = array<i32>} : memref<32x16xf32, #tpu.memory_space<vmem>>, vector<1x16xf32>,
      %swap3A_378 = vector.shape_cast %swap3A_377 : vector<1x16xf32> to vector<16xf32>
      %swap3A_379 = vector.shape_cast %parallel_loop3A_352#2 : vector<16xf32> to vector<1x16xf32>
      tpu.vector_store %arg15[%swap3A_375, %swap3A_376], %swap3A_379 {strides = array<i32>} : memref<32x16xf32, #tpu.memory_space<vmem>>, vector<1x16xf32>,
      %add3A_380 = arith.constant 12 : i32
      %add3A_381 = arith.addi %mul3A_56, %add3A_380 : i32
      %add3A_382 = arith.constant 3 : i32
      %add3A_383 = arith.addi %add3A_381, %add3A_382 : i32
      %swap3A_384 = arith.index_cast %add3A_383 : i32 to index
      %swap3A_385 = arith.constant 0 : index
      %swap3A_386 = tpu.vector_load %arg15[%swap3A_384, %swap3A_385] {strides = array<i32>} : memref<32x16xf32, #tpu.memory_space<vmem>>, vector<1x16xf32>,
      %swap3A_387 = vector.shape_cast %swap3A_386 : vector<1x16xf32> to vector<16xf32>
      %swap3A_388 = vector.shape_cast %parallel_loop3A_352#3 : vector<16xf32> to vector<1x16xf32>
      tpu.vector_store %arg15[%swap3A_384, %swap3A_385], %swap3A_388 {strides = array<i32>} : memref<32x16xf32, #tpu.memory_space<vmem>>, vector<1x16xf32>,
      %scan3A_389 = arith.constant 0 : i32
      scf.yield %scan3A_389 : i32
    }
    %scan3A_50 = arith.constant 2 : i32
    %mul3A_51 = arith.constant 32 : i32
    %mul3A_52 = arith.muli %select_n3A_30, %mul3A_51 : i32
    "tpu.region"() ({
      %run_scoped3A = tpu.sem_alloc : memref<!tpu.dma_semaphore, #tpu.memory_space<semaphore_mem>>
      %dma_start3A = arith.constant 0 : i32
      %dma_start3A_53 = tpu.memref_slice %arg6[%select_n3A, %mul3A_52, %dma_start3A] : memref<4x256x16xf32, #tpu.memory_space<hbm>> -> memref<1x32x16xf32, #tpu.memory_space<hbm>>
      %dma_start3A_54 = tpu.memref_squeeze %dma_start3A_53 : memref<1x32x16xf32, #tpu.memory_space<hbm>> -> memref<32x16xf32, #tpu.memory_space<hbm>>
      %dma_start3A_55 = arith.constant 0 : i32
      %dma_start3A_56 = tpu.memref_slice %arg6[%select_n3A, %mul3A_52, %dma_start3A_55] : memref<4x256x16xf32, #tpu.memory_space<hbm>> -> memref<1x32x16xf32, #tpu.memory_space<hbm>>
      %dma_start3A_57 = tpu.memref_squeeze %dma_start3A_56 : memref<1x32x16xf32, #tpu.memory_space<hbm>> -> memref<32x16xf32, #tpu.memory_space<hbm>>
      tpu.enqueue_dma source(%arg15 : memref<32x16xf32, #tpu.memory_space<vmem>>) target(%dma_start3A_57 : memref<32x16xf32, #tpu.memory_space<hbm>>) target_semaphore(%run_scoped3A : memref<!tpu.dma_semaphore, #tpu.memory_space<semaphore_mem>>)
      %dma_wait3A = arith.constant 0 : i32
      %dma_wait3A_58 = tpu.memref_slice %arg6[%select_n3A, %mul3A_52, %dma_wait3A] : memref<4x256x16xf32, #tpu.memory_space<hbm>> -> memref<1x32x16xf32, #tpu.memory_space<hbm>>
      %dma_wait3A_59 = tpu.memref_squeeze %dma_wait3A_58 : memref<1x32x16xf32, #tpu.memory_space<hbm>> -> memref<32x16xf32, #tpu.memory_space<hbm>>
      %dma_wait3A_60 = arith.constant 0 : i32
      %dma_wait3A_61 = tpu.memref_slice %arg6[%select_n3A, %mul3A_52, %dma_wait3A_60] : memref<4x256x16xf32, #tpu.memory_space<hbm>> -> memref<1x32x16xf32, #tpu.memory_space<hbm>>
      %dma_wait3A_62 = tpu.memref_squeeze %dma_wait3A_61 : memref<1x32x16xf32, #tpu.memory_space<hbm>> -> memref<32x16xf32, #tpu.memory_space<hbm>>
      tpu.wait_dma2 semaphore(%run_scoped3A : memref<!tpu.dma_semaphore, #tpu.memory_space<semaphore_mem>>) src(%arg15 : memref<32x16xf32, #tpu.memory_space<vmem>>) dst(%dma_wait3A_62 : memref<32x16xf32, #tpu.memory_space<hbm>>)
      tpu.yield
    }) : () -> ()
    "tpu.region"() ({
      %run_scoped3A = tpu.sem_alloc : memref<!tpu.dma_semaphore, #tpu.memory_space<semaphore_mem>>
      %dma_start3A = arith.constant 0 : i32
      %dma_start3A_53 = tpu.memref_slice %arg7[%select_n3A, %select_n3A_30, %dma_start3A] : memref<4x8x4096xf32, #tpu.memory_space<hbm>> -> memref<1x1x4096xf32, #tpu.memory_space<hbm>>
      %dma_start3A_54 = tpu.memref_squeeze %dma_start3A_53 : memref<1x1x4096xf32, #tpu.memory_space<hbm>> -> memref<4096xf32, #tpu.memory_space<hbm>>
      %dma_start3A_55 = arith.constant 0 : i32
      %dma_start3A_56 = tpu.memref_slice %arg7[%select_n3A, %select_n3A_30, %dma_start3A_55] : memref<4x8x4096xf32, #tpu.memory_space<hbm>> -> memref<1x1x4096xf32, #tpu.memory_space<hbm>>
      %dma_start3A_57 = tpu.memref_squeeze %dma_start3A_56 : memref<1x1x4096xf32, #tpu.memory_space<hbm>> -> memref<4096xf32, #tpu.memory_space<hbm>>
      tpu.enqueue_dma source(%arg14 : memref<4096xf32, #tpu.memory_space<vmem>>) target(%dma_start3A_57 : memref<4096xf32, #tpu.memory_space<hbm>>) target_semaphore(%run_scoped3A : memref<!tpu.dma_semaphore, #tpu.memory_space<semaphore_mem>>)
      %dma_wait3A = arith.constant 0 : i32
      %dma_wait3A_58 = tpu.memref_slice %arg7[%select_n3A, %select_n3A_30, %dma_wait3A] : memref<4x8x4096xf32, #tpu.memory_space<hbm>> -> memref<1x1x4096xf32, #tpu.memory_space<hbm>>
      %dma_wait3A_59 = tpu.memref_squeeze %dma_wait3A_58 : memref<1x1x4096xf32, #tpu.memory_space<hbm>> -> memref<4096xf32, #tpu.memory_space<hbm>>
      %dma_wait3A_60 = arith.constant 0 : i32
      %dma_wait3A_61 = tpu.memref_slice %arg7[%select_n3A, %select_n3A_30, %dma_wait3A_60] : memref<4x8x4096xf32, #tpu.memory_space<hbm>> -> memref<1x1x4096xf32, #tpu.memory_space<hbm>>
      %dma_wait3A_62 = tpu.memref_squeeze %dma_wait3A_61 : memref<1x1x4096xf32, #tpu.memory_space<hbm>> -> memref<4096xf32, #tpu.memory_space<hbm>>
      tpu.wait_dma2 semaphore(%run_scoped3A : memref<!tpu.dma_semaphore, #tpu.memory_space<semaphore_mem>>) src(%arg14 : memref<4096xf32, #tpu.memory_space<vmem>>) dst(%dma_wait3A_62 : memref<4096xf32, #tpu.memory_space<hbm>>)
      tpu.yield
    }) : () -> ()
    return
  }
}

module attributes {stable_mosaic.version = 14 : i64} {
  func.func @_tc_body(%arg0: i32, %arg1: i32, %arg2: memref<1x3x1280xf32, #tpu.memory_space<vmem>>, %arg3: memref<1x3x1280xf32, #tpu.memory_space<vmem>>, %arg4: memref<1x3x4096xf32, #tpu.memory_space<vmem>>, %arg5: memref<1x1xf32, #tpu.memory_space<smem>>, %arg6: memref<1x1x4096xf32, #tpu.memory_space<vmem>>) attributes {dimension_semantics = [#tpu.dimension_semantics<arbitrary>, #tpu.dimension_semantics<arbitrary>], iteration_bounds = array<i64: 4, 3>, scalar_prefetch = 0 : i64, scratch_operands = 0 : i64, tpu.core_type = #tpu.core_type<tc>, window_params = [{transform_indices = @transform_0, window_bounds = array<i64: 1, 3, 1280>}, {transform_indices = @transform_1, window_bounds = array<i64: 1, 3, 1280>}, {transform_indices = @transform_2, window_bounds = array<i64: 1, 3, 4096>}, {transform_indices = @transform_3, window_bounds = array<i64: 1, 1>}, {transform_indices = @transform_4, window_bounds = array<i64: 1, 1, 4096>}]} {
    %get3A = arith.constant 0 : index
    %get3A_0 = arith.constant 0 : index
    %get3A_1 = arith.constant 0 : index
    %get3A_2 = vector.load %arg2[%get3A, %get3A_0, %get3A_1] : memref<1x3x1280xf32, #tpu.memory_space<vmem>>, vector<1x3x1280xf32>
    %get3A_3 = vector.shape_cast %get3A_2 : vector<1x3x1280xf32> to vector<3x1280xf32>
    %get3A_4 = arith.constant 0 : index
    %get3A_5 = arith.constant 0 : index
    %get3A_6 = arith.constant 0 : index
    %get3A_7 = vector.load %arg3[%get3A_4, %get3A_5, %get3A_6] : memref<1x3x1280xf32, #tpu.memory_space<vmem>>, vector<1x3x1280xf32>
    %get3A_8 = vector.shape_cast %get3A_7 : vector<1x3x1280xf32> to vector<3x1280xf32>
    %get3A_9 = arith.constant 0 : index
    %get3A_10 = arith.constant 0 : index
    %get3A_11 = arith.constant 0 : index
    %get3A_12 = vector.load %arg4[%get3A_9, %get3A_10, %get3A_11] : memref<1x3x4096xf32, #tpu.memory_space<vmem>>, vector<1x3x4096xf32>
    %get3A_13 = vector.shape_cast %get3A_12 : vector<1x3x4096xf32> to vector<3x4096xf32>
    %mul3A = arith.mulf %get3A_8, %get3A_8 : vector<3x1280xf32>
    %reduce_sum3A = arith.constant dense<0.000000e+00> : vector<1280xf32>
    %reduce_sum3A_14 = vector.multi_reduction <add>, %mul3A, %reduce_sum3A [0] : vector<3x1280xf32> to vector<1280xf32>
    %mul3A_15 = arith.mulf %get3A_13, %get3A_13 : vector<3x4096xf32>
    %reduce_sum3A_16 = arith.constant dense<0.000000e+00> : vector<4096xf32>
    %reduce_sum3A_17 = vector.multi_reduction <add>, %mul3A_15, %reduce_sum3A_16 [0] : vector<3x4096xf32> to vector<4096xf32>
    %convert_element_type3A = arith.truncf %get3A_3 : vector<3x1280xf32> to vector<3x1280xbf16>
    %convert_element_type3A_18 = arith.truncf %get3A_13 : vector<3x4096xf32> to vector<3x4096xbf16>
    %dot_general3A = arith.constant dense<0.000000e+00> : vector<1280x4096xf32>
    %dot_general3A_19 = tpu.matmul %convert_element_type3A, %convert_element_type3A_18, %dot_general3A {dimension_numbers = #tpu.dot_dimension_numbers<[0], [0], [1], [1], [0, 1, 1, 1], [], []>, transpose_lhs_hint = false} : vector<3x1280xbf16>, vector<3x4096xbf16>, vector<1280x4096xf32> -> vector<1280x4096xf32>
    %broadcast_in_dim3A = vector.shape_cast %reduce_sum3A_14 : vector<1280xf32> to vector<1280x1xf32>
    %broadcast_in_dim3A_20 = vector.shape_cast %reduce_sum3A_17 : vector<4096xf32> to vector<1x4096xf32>
    %add3A = vector.broadcast %broadcast_in_dim3A : vector<1280x1xf32> to vector<1280x4096xf32>
    %add3A_21 = vector.broadcast %broadcast_in_dim3A_20 : vector<1x4096xf32> to vector<1280x4096xf32>
    %add3A_22 = arith.addf %add3A, %add3A_21 : vector<1280x4096xf32>
    %add3A_23 = arith.addf %add3A_22, %dot_general3A_19 : vector<1280x4096xf32>
    %eq3A = arith.constant 0 : i32
    %eq3A_24 = arith.cmpi eq, %arg0, %eq3A : i32
    %eq3A_25 = arith.constant 0 : i32
    %eq3A_26 = arith.cmpi eq, %arg1, %eq3A_25 : i32
    %and3A = arith.andi %eq3A_24, %eq3A_26 : i1
    %convert_element_type3A_27 = arith.extui %and3A : i1 to i32
    %cond3A = arith.constant 0 : i32
    %cond3A_28 = arith.cmpi ne, %convert_element_type3A_27, %cond3A : i32
    scf.if %cond3A_28 {
      %swap3A_54 = arith.constant 0.000000e+00 : f32
      %swap3A_55 = arith.constant 0 : index
      %swap3A_56 = arith.constant 0 : index
      %swap3A_57 = memref.load %arg5[%swap3A_55, %swap3A_56] : memref<1x1xf32, #tpu.memory_space<smem>>
      memref.store %swap3A_54, %arg5[%swap3A_55, %swap3A_56] : memref<1x1xf32, #tpu.memory_space<smem>>
    } else {
    }
    %reduce_min3A = arith.constant dense<0x7F800000> : vector<1280xf32>
    %reduce_min3A_29 = vector.multi_reduction <minimumf>, %add3A_23, %reduce_min3A [1] : vector<1280x4096xf32> to vector<1280xf32>
    %max3A = arith.constant 0.000000e+00 : f32
    %max3A_30 = vector.broadcast %max3A : f32 to vector<1280xf32>
    %max3A_31 = arith.maximumf %reduce_min3A_29, %max3A_30 : vector<1280xf32>
    %get3A_32 = arith.constant 0 : index
    %get3A_33 = arith.constant 0 : index
    %get3A_34 = memref.load %arg5[%get3A_32, %get3A_33] : memref<1x1xf32, #tpu.memory_space<smem>>
    %sqrt3A = math.sqrt %max3A_31 : vector<1280xf32>
    %reduce_sum3A_35 = vector.shape_cast %sqrt3A : vector<1280xf32> to vector<1x1280xf32>
    %reduce_sum3A_36 = arith.constant dense<0.000000e+00> : vector<1xf32>
    %reduce_sum3A_37 = vector.multi_reduction <add>, %reduce_sum3A_35, %reduce_sum3A_36 [1] : vector<1x1280xf32> to vector<1xf32>
    %reduce_sum3A_38 = vector.shape_cast %reduce_sum3A_37 : vector<1xf32> to vector<1x1xf32>
    %reduce_sum3A_39 = vector.extract %reduce_sum3A_38[0, 0] : f32 from vector<1x1xf32>
    %add3A_40 = arith.addf %get3A_34, %reduce_sum3A_39 : f32
    %swap3A = arith.constant 0 : index
    %swap3A_41 = arith.constant 0 : index
    %swap3A_42 = memref.load %arg5[%swap3A, %swap3A_41] : memref<1x1xf32, #tpu.memory_space<smem>>
    memref.store %add3A_40, %arg5[%swap3A, %swap3A_41] : memref<1x1xf32, #tpu.memory_space<smem>>
    %reduce_min3A_43 = arith.constant dense<0x7F800000> : vector<4096xf32>
    %reduce_min3A_44 = vector.multi_reduction <minimumf>, %add3A_23, %reduce_min3A_43 [0] : vector<1280x4096xf32> to vector<4096xf32>
    %eq3A_45 = arith.constant 0 : i32
    %eq3A_46 = arith.cmpi eq, %arg1, %eq3A_45 : i32
    %convert_element_type3A_47 = arith.extui %eq3A_46 : i1 to i32
    %cond3A_48 = arith.constant 0 : i32
    %cond3A_49 = arith.cmpi ne, %convert_element_type3A_47, %cond3A_48 : i32
    scf.if %cond3A_49 {
      %swap3A_54 = arith.constant 0 : index
      %swap3A_55 = arith.constant 0 : index
      %swap3A_56 = arith.constant 0 : index
      %swap3A_57 = vector.load %arg6[%swap3A_54, %swap3A_55, %swap3A_56] : memref<1x1x4096xf32, #tpu.memory_space<vmem>>, vector<1x1x4096xf32>
      %swap3A_58 = vector.shape_cast %swap3A_57 : vector<1x1x4096xf32> to vector<4096xf32>
      %swap3A_59 = vector.shape_cast %reduce_min3A_44 : vector<4096xf32> to vector<1x1x4096xf32>
      tpu.vector_store %arg6[%swap3A_54, %swap3A_55, %swap3A_56], %swap3A_59 {strides = array<i32>} : memref<1x1x4096xf32, #tpu.memory_space<vmem>>, vector<1x1x4096xf32>,
    } else {
    }
    %gt3A = arith.constant 0 : i32
    %gt3A_50 = arith.cmpi sgt, %arg1, %gt3A : i32
    %convert_element_type3A_51 = arith.extui %gt3A_50 : i1 to i32
    %cond3A_52 = arith.constant 0 : i32
    %cond3A_53 = arith.cmpi ne, %convert_element_type3A_51, %cond3A_52 : i32
    scf.if %cond3A_53 {
      %get3A_54 = arith.constant 0 : index
      %get3A_55 = arith.constant 0 : index
      %get3A_56 = arith.constant 0 : index
      %get3A_57 = vector.load %arg6[%get3A_54, %get3A_55, %get3A_56] : memref<1x1x4096xf32, #tpu.memory_space<vmem>>, vector<1x1x4096xf32>
      %get3A_58 = vector.shape_cast %get3A_57 : vector<1x1x4096xf32> to vector<4096xf32>
      %min3A = arith.minimumf %get3A_58, %reduce_min3A_44 : vector<4096xf32>
      %swap3A_59 = arith.constant 0 : index
      %swap3A_60 = arith.constant 0 : index
      %swap3A_61 = arith.constant 0 : index
      %swap3A_62 = vector.load %arg6[%swap3A_59, %swap3A_60, %swap3A_61] : memref<1x1x4096xf32, #tpu.memory_space<vmem>>, vector<1x1x4096xf32>
      %swap3A_63 = vector.shape_cast %swap3A_62 : vector<1x1x4096xf32> to vector<4096xf32>
      %swap3A_64 = vector.shape_cast %min3A : vector<4096xf32> to vector<1x1x4096xf32>
      tpu.vector_store %arg6[%swap3A_59, %swap3A_60, %swap3A_61], %swap3A_64 {strides = array<i32>} : memref<1x1x4096xf32, #tpu.memory_space<vmem>>, vector<1x1x4096xf32>,
    } else {
    }
    return
  }
  func.func @transform_0(%arg0: i32, %arg1: i32) -> (i32, i32, i32) {
    %c0_i32 = arith.constant 0 : i32
    %c0_i32_0 = arith.constant 0 : i32
    return %arg0, %c0_i32, %arg1 : i32, i32, i32
  }
  func.func @transform_1(%arg0: i32, %arg1: i32) -> (i32, i32, i32) {
    %c0_i32 = arith.constant 0 : i32
    %c0_i32_0 = arith.constant 0 : i32
    return %arg0, %c0_i32, %arg1 : i32, i32, i32
  }
  func.func @transform_2(%arg0: i32, %arg1: i32) -> (i32, i32, i32) {
    %c0_i32 = arith.constant 0 : i32
    %c0_i32_0 = arith.constant 0 : i32
    %c0_i32_1 = arith.constant 0 : i32
    return %arg0, %c0_i32, %c0_i32_0 : i32, i32, i32
  }
  func.func @transform_3(%arg0: i32, %arg1: i32) -> (i32, i32) {
    %c0_i32 = arith.constant 0 : i32
    %c0_i32_0 = arith.constant 0 : i32
    %c0_i32_1 = arith.constant 0 : i32
    return %c0_i32, %c0_i32_0 : i32, i32
  }
  func.func @transform_4(%arg0: i32, %arg1: i32) -> (i32, i32, i32) {
    %c0_i32 = arith.constant 0 : i32
    %c0_i32_0 = arith.constant 0 : i32
    %c0_i32_1 = arith.constant 0 : i32
    return %arg0, %c0_i32, %c0_i32_0 : i32, i32, i32
  }
}

module attributes {stable_mosaic.version = 14 : i64} {
  func.func @_merge_body(%arg0: memref<1x1xf32, #tpu.memory_space<vmem>>, %arg1: memref<4x1x4096xf32, #tpu.memory_space<vmem>>, %arg2: memref<4x256x16xf32, #tpu.memory_space<vmem>>, %arg3: memref<4x8x4096xf32, #tpu.memory_space<vmem>>, %arg4: memref<1x1xf32, #tpu.memory_space<smem>>) attributes {dimension_semantics = [], scalar_prefetch = 0 : i64, scratch_operands = 0 : i64, tpu.core_type = #tpu.core_type<tc>} {
    %get3A = arith.constant 0 : index
    %get3A_0 = arith.constant 0 : index
    %get3A_1 = arith.constant 0 : index
    %get3A_2 = vector.load %arg2[%get3A, %get3A_0, %get3A_1] : memref<4x256x16xf32, #tpu.memory_space<vmem>>, vector<4x256x16xf32>
    %reduce_min3A = arith.constant dense<0x7F800000> : vector<4x256xf32>
    %reduce_min3A_3 = vector.multi_reduction <minimumf>, %get3A_2, %reduce_min3A [2] : vector<4x256x16xf32> to vector<4x256xf32>
    %max3A = arith.constant 0.000000e+00 : f32
    %max3A_4 = vector.broadcast %max3A : f32 to vector<4x256xf32>
    %max3A_5 = arith.maximumf %reduce_min3A_3, %max3A_4 : vector<4x256xf32>
    %get3A_6 = arith.constant 0 : index
    %get3A_7 = arith.constant 0 : index
    %get3A_8 = vector.load %arg0[%get3A_6, %get3A_7] : memref<1x1xf32, #tpu.memory_space<vmem>>, vector<1x1xf32>
    %reduce_sum3A = vector.shape_cast %get3A_8 : vector<1x1xf32> to vector<1x1x1xf32>
    %reduce_sum3A_9 = arith.constant dense<0.000000e+00> : vector<1xf32>
    %reduce_sum3A_10 = vector.multi_reduction <add>, %reduce_sum3A, %reduce_sum3A_9 [1, 2] : vector<1x1x1xf32> to vector<1xf32>
    %reduce_sum3A_11 = vector.shape_cast %reduce_sum3A_10 : vector<1xf32> to vector<1x1x1xf32>
    %reduce_sum3A_12 = vector.extract %reduce_sum3A_11[0, 0, 0] : f32 from vector<1x1x1xf32>
    %sqrt3A = math.sqrt %max3A_5 : vector<4x256xf32>
    %reduce_sum3A_13 = vector.shape_cast %sqrt3A : vector<4x256xf32> to vector<1x4x256xf32>
    %reduce_sum3A_14 = arith.constant dense<0.000000e+00> : vector<1xf32>
    %reduce_sum3A_15 = vector.multi_reduction <add>, %reduce_sum3A_13, %reduce_sum3A_14 [1, 2] : vector<1x4x256xf32> to vector<1xf32>
    %reduce_sum3A_16 = vector.shape_cast %reduce_sum3A_15 : vector<1xf32> to vector<1x1x1xf32>
    %reduce_sum3A_17 = vector.extract %reduce_sum3A_16[0, 0, 0] : f32 from vector<1x1x1xf32>
    %add3A = arith.addf %reduce_sum3A_12, %reduce_sum3A_17 : f32
    %get3A_18 = arith.constant 0 : index
    %get3A_19 = arith.constant 0 : index
    %get3A_20 = arith.constant 0 : index
    %get3A_21 = vector.load %arg1[%get3A_18, %get3A_19, %get3A_20] : memref<4x1x4096xf32, #tpu.memory_space<vmem>>, vector<4x1x4096xf32>
    %get3A_22 = vector.shape_cast %get3A_21 : vector<4x1x4096xf32> to vector<4x4096xf32>
    %get3A_23 = arith.constant 0 : index
    %get3A_24 = arith.constant 0 : index
    %get3A_25 = arith.constant 0 : index
    %get3A_26 = vector.load %arg3[%get3A_23, %get3A_24, %get3A_25] : memref<4x8x4096xf32, #tpu.memory_space<vmem>>, vector<4x8x4096xf32>
    %reduce_min3A_27 = arith.constant dense<0x7F800000> : vector<4x4096xf32>
    %reduce_min3A_28 = vector.multi_reduction <minimumf>, %get3A_26, %reduce_min3A_27 [1] : vector<4x8x4096xf32> to vector<4x4096xf32>
    %min3A = arith.minimumf %get3A_22, %reduce_min3A_28 : vector<4x4096xf32>
    %max3A_29 = arith.constant 0.000000e+00 : f32
    %max3A_30 = vector.broadcast %max3A_29 : f32 to vector<4x4096xf32>
    %max3A_31 = arith.maximumf %min3A, %max3A_30 : vector<4x4096xf32>
    %sqrt3A_32 = math.sqrt %max3A_31 : vector<4x4096xf32>
    %reduce_sum3A_33 = vector.shape_cast %sqrt3A_32 : vector<4x4096xf32> to vector<1x4x4096xf32>
    %reduce_sum3A_34 = arith.constant dense<0.000000e+00> : vector<1xf32>
    %reduce_sum3A_35 = vector.multi_reduction <add>, %reduce_sum3A_33, %reduce_sum3A_34 [1, 2] : vector<1x4x4096xf32> to vector<1xf32>
    %reduce_sum3A_36 = vector.shape_cast %reduce_sum3A_35 : vector<1xf32> to vector<1x1x1xf32>
    %reduce_sum3A_37 = vector.extract %reduce_sum3A_36[0, 0, 0] : f32 from vector<1x1x1xf32>
    %mul3A = arith.constant 3.05175781E-5 : f32
    %mul3A_38 = arith.mulf %add3A, %mul3A : f32
    %mul3A_39 = arith.constant 3.05175781E-5 : f32
    %mul3A_40 = arith.mulf %reduce_sum3A_37, %mul3A_39 : f32
    %add3A_41 = arith.addf %mul3A_38, %mul3A_40 : f32
    %swap3A = arith.constant 0 : index
    %swap3A_42 = arith.constant 0 : index
    %swap3A_43 = memref.load %arg4[%swap3A, %swap3A_42] : memref<1x1xf32, #tpu.memory_space<smem>>
    memref.store %add3A_41, %arg4[%swap3A, %swap3A_42] : memref<1x1xf32, #tpu.memory_space<smem>>
    return
  }
}

</mosaic_0001>

<sc_bundles>
// kernel: kernel.5.cloned.1.call-start
scs
__scs_entry_jumppad:
0x0: {  	(pc) =	sbr.rel $0x88, $3  }
0x1: {  	(tag) =	ssettag $0x0;
	lr =	simm.s32 $0x1  }
0x2: {  	[smem:$0x3F9F] =	sst lr;
	_ =	strace $0xD0000000  }
0x3: {  	_ = 	snop  }
0x4: {  	_ = 	snop  }
0x5: {  	_ = 	snop  }
0x6: {  	_ = 	snop  }
0x7: {  	_ = 	snop  }
__scs_overlays_trampoline_lowered:
0x8: {  	[smem:$0x3FAE] =	sst s0  }
0x9: {  	[smem:$0x3FAF] =	sst s1  }
0xa: {  	[smem:$0x3FB0] =	sst s2  }
0xb: {  	[smem:$0x3FB1] =	sst s3  }
0xc: {  	[smem:$0x3FB2] =	sst s4  }
0xd: {  	[smem:$0x3FB3] =	sst s5  }
0xe: {  	[smem:$0x3FB4] =	sst s6  }
0xf: {  	[smem:$0x3FB5] =	sst s7  }
0x10: {  	[smem:$0x3FB6] =	sst s8  }
0x11: {  	[smem:$0x3FB7] =	sst s9;
	s0 =	simm.s32 @!p0 $0x0  }
0x12: {  	s1 =	sld [smem:$0x3F9D];
	s0 =	simm.s32 @p0 $0x1  }
0x13: {  	[smem:$0x3FB8] =	sst s0;
	s0 =	simm.s32 @!p1 $0x0  }
0x14: {  	s2 =	sld [smem:$0x3F9C];
	s0 =	simm.s32 @p1 $0x1  }
0x15: {  	[smem:$0x3FB9] =	sst s0;
	s0 =	simm.s32 @!p2 $0x0  }
0x16: {  	s3 =	sld [smem:$0x3FDB];
	s0 =	simm.s32 @p2 $0x1  }
0x17: {  	s4 =	simm.s32 $0x1BF5;
	[smem:$0x3FBB] =	sst s0  }
0x18: {  	s0 =	sld [smem:$0x3F9E];
	_ =	swait.ge [sflag:s4], $0x0  }
0x19: {  	s7 =	sld [smem:$0x3F9F]  }
0x1a: {  	s8 =	sadd.s32 $0xFFFFE003, lr  }
0x1b: {  	s9 =	sadd.s32 $0xFFFFFEF7, lr;
	s5 =	simm.s32 $0xFFFFFFFF;
	p2 =	slt.u32 s8, $0xFFFFF086  }
0x1c: {  	p1 =	slt.u32 s9, $0xF7A;
	s5 =	simm.s32 @!p2 $0x0  }
0x1d: {  	s5 =	simm.s32 @p1 $0x1;
	p0 =	seq.s32 s7, s2  }
0x1e: {  	s7 =	smul.u32 @!p0 $0xF7A, s2;
	p2 =	seq.s32 @!p0 s5, $0x0  }
0x1f: {  	s9 =	smul.u32 $0xF7A, s1;
	s8 =	simm.s32 @!p0 $0x1BF5;
	p2 =	por !p2, p0  }
0x20: {  	[sflag:s8] =	ssyncset.s32 @!p0 $0xFFFFF086;
	s6 =	sadd.s32 @!p0 s3, s7;
	s7 =	simm.s32 @!p0 $0x108  }
0x21: {  	s3 =	sadd.s32 s3, s9;
	s6 =	sadd.s32 @!p0 $0x88, s6;
	s7 =	simm.s32 @p2 $0x1082  }
0x22: {  	[simem:s7], [sflag:s8] =	dma.local @!p0 [hbm:s6], $0xF7A  }
0x23: {  	s9 =	sor.u32 $0xD0000000, s2;
	s6 =	simm.s32 $0x108;
	_ =	swait.ge @!p0 [sflag:s8], $0x0  }
0x24: {  	s3 =	sadd.s32 $0x88, s3;
	s6 =	simm.s32 @!p1 $0x1082;
	[sflag:s4] =	ssyncset.s32 $0xFFFFF086  }
0x25: {  	[simem:s6], [sflag:s4] =	dma.local [hbm:s3], $0xF7A  }
0x26: {  	[smem:$0x3F9F] =	sst s1;
	(tag) =	ssettag s2;
	_ =	strace s9  }
0x27: {  	s1 =	sld [smem:$0x3FAF]  }
0x28: {  	s2 =	sld [smem:$0x3FB0]  }
0x29: {  	s4 =	sld [smem:$0x3FB2]  }
0x2a: {  	p0 =	seq.s32 s5, $0x0;
	s5 =	sld [smem:$0x3FB3]  }
0x2b: {  	s6 =	sld [smem:$0x3FB4]  }
0x2c: {  	s7 =	sld [smem:$0x3FB5]  }
0x2d: {  	s3 =	simm.s32 $0x108;
	s8 =	sld [smem:$0x3FB6]  }
0x2e: {  	s3 =	simm.s32 @!p0 $0x1082;
	s9 =	sld [smem:$0x3FB7]  }
0x2f: {  	lr =	sadd.s32 s0, s3;
	s0 =	sld [smem:$0x3FAE]  }
0x30: {  	s3 =	sld [smem:$0x3FB1]  }
0x31: {  	[smem:$0x3FBA] =	sst s10  }
0x32: {  	s10 =	sld [smem:$0x3FB8];
	_ =	sdelay $0x3  }
0x33: {  	p0 =	seq.s32 s10, $0x1;
	s10 =	sld [smem:$0x3FBA];
	_ =	sdelay $0x3  }
0x34: {  	[smem:$0x3FBA] =	sst s10  }
0x35: {  	s10 =	sld [smem:$0x3FB9];
	_ =	sdelay $0x3  }
0x36: {  	p1 =	seq.s32 s10, $0x1;
	s10 =	sld [smem:$0x3FBA];
	_ =	sdelay $0x3  }
0x37: {  	[smem:$0x3FBA] =	sst s10  }
0x38: {  	s10 =	sld [smem:$0x3FBB]  }
0x39: {  	_ = 	snop;
	(pc) =	sbr.ind lr, $3  }
0x3a: {  	_ = 	snop  }
0x3b: {  	_ = 	snop  }
0x3c: {  	p2 =	seq.s32 s10, $0x1;
	s10 =	sld [smem:$0x3FBA]  }
0x3d: {  	_ =	shalt  }
0x3e: {  	_ =	shalt  }
0x3f: {  	_ =	shalt  }
0x40: {  	_ =	shalt  }
0x41: {  	_ =	shalt  }
0x42: {  	_ =	shalt  }
0x43: {  	_ =	shalt  }
0x44: {  	_ =	shalt  }
0x45: {  	_ =	shalt  }
0x46: {  	_ =	shalt  }
0x47: {  	_ =	shalt  }
0x48: {  	_ =	shalt  }
0x49: {  	_ =	shalt  }
0x4a: {  	_ =	shalt  }
0x4b: {  	_ =	shalt  }
0x4c: {  	_ =	shalt  }
0x4d: {  	_ =	shalt  }
0x4e: {  	_ =	shalt  }
0x4f: {  	_ =	shalt  }
0x50: {  	_ =	shalt  }
0x51: {  	_ =	shalt  }
0x52: {  	_ =	shalt  }
0x53: {  	_ =	shalt  }
0x54: {  	_ =	shalt  }
0x55: {  	_ =	shalt  }
0x56: {  	_ =	shalt  }
0x57: {  	_ =	shalt  }
0x58: {  	_ =	shalt  }
0x59: {  	_ =	shalt  }
0x5a: {  	_ =	shalt  }
0x5b: {  	_ =	shalt  }
0x5c: {  	_ =	shalt  }
0x5d: {  	_ =	shalt  }
0x5e: {  	_ =	shalt  }
0x5f: {  	_ =	shalt  }
0x60: {  	_ =	shalt  }
0x61: {  	_ =	shalt  }
0x62: {  	_ =	shalt  }
0x63: {  	_ =	shalt  }
0x64: {  	_ =	shalt  }
0x65: {  	_ =	shalt  }
0x66: {  	_ =	shalt  }
0x67: {  	_ =	shalt  }
0x68: {  	_ =	shalt  }
0x69: {  	_ =	shalt  }
0x6a: {  	_ =	shalt  }
0x6b: {  	_ =	shalt  }
0x6c: {  	_ =	shalt  }
0x6d: {  	_ =	shalt  }
0x6e: {  	_ =	shalt  }
0x6f: {  	_ =	shalt  }
0x70: {  	_ =	shalt  }
0x71: {  	_ =	shalt  }
0x72: {  	_ =	shalt  }
0x73: {  	_ =	shalt  }
0x74: {  	_ =	shalt  }
0x75: {  	_ =	shalt  }
0x76: {  	_ =	shalt  }
0x77: {  	_ =	shalt  }
0x78: {  	_ =	shalt  }
0x79: {  	_ =	shalt  }
0x7a: {  	_ =	shalt  }
0x7b: {  	_ =	shalt  }
0x7c: {  	_ =	shalt  }
0x7d: {  	_ =	shalt  }
0x7e: {  	_ =	shalt  }
0x7f: {  	_ =	shalt  }
0x80: {  	_ =	shalt  }
0x81: {  	_ =	shalt  }
0x82: {  	_ =	shalt  }
0x83: {  	_ =	shalt  }
0x84: {  	_ =	shalt  }
0x85: {  	_ =	shalt  }
0x86: {  	_ =	shalt  }
0x87: {  	_ =	shalt  }
.Lfunc_end0:
.L_simem_size_0:
called_computation_lowered:
.L_overlay_start_0:
0x88: {  	s2 =	sld [smem:$0x3FD9]  }
0x89: {  	s3 =	sld [smem:$0x3FFE];
	_ =	sdelay $0x1  }
0x8a: {  	s1 =	srdreg.scid  }
0x8b: {  	s0 =	sand.u32 $0x1, s1  }
0x8c: {  	s16 =	sshll.u32 s0, $0xA;
	s2 =	sadd.s32 s3, s2  }
0x8d: {  	s2 =	sadd.s32 s2, s16  }
0x8e: {  	[smem:$0x3FC6] =	sst s2  }
0x8f: {  	_ = 	snop  }
0x90: {  	(tm) =	ssettm $0x1  }
0x91: {  	s17 =	sld [smem:$0x3FFB];
	_ =	sdelay $0x3  }
0x92: {  	_ =	strace s17  }
0x93: {  	s2 =	sld [smem:$0x3FFC];
	_ =	sdelay $0x3  }
0x94: {  	_ =	strace s2  }
0x95: {  	s2 =	sld [smem:$0x3FFD];
	_ =	sdelay $0x3  }
0x96: {  	_ =	strace s2  }
0x97: {  	_ =	strace $0x8FFFFFFF  }
0x98: {  	s18 =	sld [smem:$0x3FDB];
	_ =	sdelay $0x1  }
0x99: {  	s19 =	simm.s32 $_scs_section_size  }
0x9a: {  	s4 =	simm.s32 $_size__tile_overlayer_lowered;
	s5 =	simm.s32 $_tile_overlayer_lowered  }
0x9b: {  	s22 =	simm.s32 $0x1BFF;
	s21 =	sshll.u32 s5, $0x1;
	s2 =	sadd.s32 s19, s18  }
0x9c: {  	s6 =	simm.s32 $0x0;
	s20 =	sshll.u32 s4, $0x1;
	s4 =	sadd.s32 s21, s2  }
0x9d: {  	[timem:s6], [sflag:s22] =	dma.local [hbm:s4], s20  }
0x9e: {  	_ =	swait.ge [sflag:s22], s20  }
0x9f: {  	s3 =	ssub.s32 $0x0, s20;
	[sflag:s22] =	ssyncset.done $0x0  }
0xa0: {  	[sflag:s22] =	ssyncadd.s32 s3;
	_ =	sdelay $0x1  }
0xa1: {  	s23 =	simm.s32 $0x1B8B  }
0xa2: {  	_ =	swait.ge [sflag:s23], $0x1  }
0xa3: {  	[sflag:s23] =	ssyncset.done $0x0  }
0xa4: {  	s25 =	simm.s32 $0x1B8E;
	s24 =	sld [smem:$0x3FFE];
	[sflag:s23] =	ssyncadd.s32 $0xFFFFFFFF  }
0xa5: {  	s26 =	simm.s32 $execute0_lowered;
	[smem:$0x3FD2] =	sst s25  }
0xa6: {  	s4 =	sshll.u32 s26, $0x1;
	_ =	strace $0x80000046;
	[dreg:$0x1] =	wrdreg $0xFFFFFFFF  }
0xa7: {  	s28 =	simm.s32 $_size_execute0_lowered;
	s2 =	sadd.s32 s2, s4;
	[dreg:$0x0] =	wrdreg $0x0  }
0xa8: {  	s4 =	sshll.u32 s28, $0x1;
	[dreg:$0x2] =	wrdreg s2  }
0xa9: {  	[dreg:$0x3] =	wrdreg s4  }
0xaa: {  	[dreg:$0x4] =	wrdreg $0xC0  }
0xab: {  	_ =	task [dreg:s6], $0x5FFFF  }
0xac: {  	[dreg:$0x1] =	wrdreg $0xFFFFFFFF  }
0xad: {  	[dreg:$0x0] =	wrdreg $0x60  }
0xae: {  	[dreg:$0x2] =	wrdreg s24  }
0xaf: {  	[dreg:$0x3] =	wrdreg $0x9  }
0xb0: {  	_ =	task.clear_ibuf [dreg:s6], $0x4FFFF;
	_ =	strace $0x90000046  }
0xb1: {  	s29 =	simm.s32 $0x9;
	_ =	strace $0x80000048  }
0xb2: {  	_ =	swait.ge [sflag:s29], $0x1  }
0xb3: {  	[sflag:s29] =	ssyncadd.s32 $0xFFFFFFFF  }
0xb4: {  	_ =	strace $0x90000048  }
0xb5: {  	_ =	sfence  }
0xb6: {  	s30 =	sld [smem:$0x0];
	_ =	sdelay $0x2  }
0xb7: {  	s31 =	sshll.u32 s1, $0xD;
	s1 =	sshrl.u32 s1, $0x2  }
0xb8: {  	s3 =	sand.u32 $0x4000, s31;
	s1 =	sadd.s32 s1, s30  }
0xb9: {  	s0 =	sor.u32 s3, s0;
	s1 =	sshll.u32 s1, $0x11  }
0xba: {  	s0 =	sor.u32 s1, s0  }
0xbb: {  	s0 =	sadd.s32 $0x8F2B, s0  }
0xbc: {  	[sflag:s0] =	ssyncadd.remote.s32 $0x1  }
0xbd: {  	_ =	sfence.sel $0xFFFF  }
0xbe: {  	[dreg:$0x0] =	wrdreg $0xFFFFFFFF;
	(pc) =	sbr.abs _section_cstart, $3  }
0xbf: {  	[dreg:$0x1] =	wrdreg $0xFFFFFFFF  }
0xc0: {  	_ =	task.clear_ibuf [dreg:s6], $0x2FFFF;
	_ =	strace $0x9FFFFFFF  }
0xc1: {  	(tm) =	ssettm $0x7FFFFFFF  }
tec
execute0_lowered:
.L_overlay_start_1:
0x0: {  	(tag) =	ssettag $0x1  }
0x1: {  	s0 =	stileid.u32  }
0x2: {  	s1 =	srdreg.scid;
	s3 =	rddreg [dreg:$0x0]  }
0x3: {  	s12 =	simm.s32 $0x400;
	s13 =	simm.s32 $0x4400;
	s14 =	simm.s32 $0xA480  }
0x4: {  	s15 =	simm.s32 $0x80;
	s16 =	simm.s32 $0x9480;
	s17 =	simm.s32 $0x0  }
0x5: {  	s2 =	sshll.u32 s0, $0x1;
	s4 =	sand.u32 $0x1, s1;
	s5 =	sshrl.u32 s0, $0x2  }
0x6: {  	s1 =	rddreg [dreg:$0x1];
	s2 =	sand.u32 $0x6, s2;
	s7 =	sshll.u32 s5, $0x9  }
0x7: {  	s29 =	sshll.u32 s5, $0xB;
	s5 =	sshll.u32 s5, $0xF;
	s6 =	sor.u32 s4, s2  }
0x8: {  	s2 =	simm.s32 $0x0;
	s4 =	ssub.s32 $0x2, s4;
	s8 =	sshll.u32 s6, $0x6  }
0x9: {  	[smem:$0x7FF] =	sst s2;
	s9 =	sshll.u32 s6, $0xC;
	s6 =	sshll.u32 s6, $0x7  }
0xa: {  	s31 =	sshrl.u32 s4, $0x1;
	s7 =	sor.u32 s7, s8;
	_ =	strace $0x80000047  }
0xb: {  	s8 =	sadd.s32 s29, s3;
	s9 =	sor.u32 s5, s9;
	s5 =	sor.u32 s5, s6  }
0xc: {  	s7 =	sadd.s32 s7, s3;
	s30 =	sshrl.u32 s9, $0x3;
	s5 =	sshrl.u32 s5, $0x3  }
0xd: {  	s9 =	ssub.s32 s4, s31;
	s6 =	sadd.s32 $0x3A00, s8;
	s10 =	sadd.s32 s30, s3  }
0xe: {  	s11 =	sadd.s32 s5, s3;
	s3 =	sadd.s32 $0x6200, s7;
	s4 =	sadd.s32 $0x5A00, s7  }
0xf: {  	s5 =	sadd.s32 $0x1A00, s8;
	s9 =	smax.u32 s9, $0x1;
	s7 =	sadd.s32 $0x6A00, s10  }
0x10: {  	v0 =	vimm.f32 $3.000000010e+38;
	s8 =	sadd.s32 $0xAA00, s11;
	s10 =	simm.s32 $0x1;
	s11 =	simm.s32 $0x200  }
.LBB2_1:
0x11: {  	[tilespmem:s2], [sflag:$0x1] =	stream.linear.gather [hbm4b:s3+s2], $0x180, $0x38;
	[tilespmem:$0xB480] =	vst v63  }
0x12: {  	_ =	swait.ge [sflag:s10], $0x180  }
0x13: {  	[sflag:s10] =	ssyncset.done $0x0  }
0x14: {  	[sflag:s10] =	ssyncadd.s32 $0xFFFFFE80  }
0x15: {  	[tilespmem:s11], [sflag:$0x1] =	stream.linear.gather [hbm4b:s4+s2], $0x180, $0x38;
	[tilespmem:$0xB480] =	vst v63  }
0x16: {  	_ =	swait.ge [sflag:s10], $0x180  }
0x17: {  	[sflag:s10] =	ssyncset.done $0x0  }
0x18: {  	[sflag:s10] =	ssyncadd.s32 $0xFFFFFE80  }
0x19: {  	[tilespmem:s12], [sflag:$0x1] =	stream.linear.gather [hbm4b:s5+s2], $0x4000, $0x38;
	[tilespmem:$0xB480] =	vst v63  }
0x1a: {  	_ =	swait.ge [sflag:s10], $0x4000  }
0x1b: {  	[sflag:s10] =	ssyncset.done $0x0  }
0x1c: {  	[sflag:s10] =	ssyncadd.s32 $0xFFFFC000  }
0x1d: {  	[tilespmem:s13], [sflag:$0x1] =	stream.linear.gather [hbm4b:s6+s2], $0x4000, $0x38;
	[tilespmem:$0xB480] =	vst v63  }
0x1e: {  	_ =	swait.ge [sflag:s10], $0x4000  }
0x1f: {  	[sflag:s10] =	ssyncset.done $0x0  }
0x20: {  	[sflag:s10] =	ssyncadd.s32 $0xFFFFC000  }
0x21: {  	v1 =	vld [tilespmem:$0x200]  }
0x22: {  	v2 =	vld [tilespmem:$0x280]  }
0x23: {  	v3 =	vld [tilespmem:$0x210]  }
0x24: {  	v4 =	vld [tilespmem:$0x290]  }
0x25: {  	v5 =	vld [tilespmem:$0x300]  }
0x26: {  	v6 =	vld [tilespmem:$0x310];
	_ =	sdelay $0x1  }
0x27: {  	v1 =	vmul.f32 v1, v1;
	v2 =	vmul.f32 v2, v2  }
0x28: {  	v3 =	vmul.f32 v3, v3;
	v4 =	vmul.f32 v4, v4  }
0x29: {  	v1 =	vadd.f32 v2, v1;
	v2 =	vmul.f32 v5, v5  }
0x2a: {  	v63 =	vmul.f32 v6, v6;
	v3 =	vadd.f32 v4, v3  }
0x2b: {  	v1 =	vadd.f32 v2, v1  }
0x2c: {  	v2 =	vadd.f32 v63, v3  }
0x2d: {  	s18 =	sand.u32 $0x70, s2;
	s19 =	sand.u32 $0x3E00, s2;
	[tilespmem:$0x8400] =	vst v1  }
0x2e: {  	s20 =	sor.u32 s18, s19;
	s19 =	simm.s32 $0x10;
	s18 =	simm.s32 $0x0;
	[tilespmem:$0x8410] =	vst v2  }
.LBB2_2:
0x2f: {  	p0 =	sne.s32 s19, $0xFF0;
	v1 =	vld [tilespmem:s20+$0x4400]  }
0x30: {  	v2 =	vld [tilespmem:s20+$0x4480]  }
0x31: {  	s21 =	sshra.s32 s18, $0x2  }
0x32: {  	v3 =	vld [tilespmem:s20+$0x4500];
	[tilespmem:s21+$0x9480] =	vst v0;
	_ =	sdelay $0x2  }
0x33: {  	v1 =	vmul.f32 v1, v1;
	v2 =	vmul.f32 v2, v2;
	_ =	sdelay $0x1  }
.Ltmp0:
0x34: {  	v1 =	vadd.f32 v2, v1;
	v2 =	vmul.f32 v3, v3;
	(pc) =	sbr.rel @p0 .LBB2_2-.Ltmp0, $4  }
0x35: {  	_ = 	snop  }
0x36: {  	s18 =	sadd.s32 $0x40, s18;
	v1 =	vadd.f32 v2, v1  }
0x37: {  	s22 =	sand.u32 $0x3E00, s18;
	s20 =	sand.u32 $0x70, s19  }
0x38: {  	s19 =	sadd.s32 $0x10, s19;
	s20 =	sor.u32 s20, s22;
	[tilespmem:s21+$0x8480] =	vst v1  }
0x39: {  	v1 =	vld [tilespmem:s20+$0x4400]  }
0x3a: {  	v2 =	vld [tilespmem:s20+$0x4480];
	_ =	sdelay $0x1  }
0x3b: {  	v3 =	vld [tilespmem:s20+$0x4500];
	_ =	sdelay $0x2  }
0x3c: {  	v1 =	vmul.f32 v1, v1;
	v2 =	vmul.f32 v2, v2;
	_ =	sdelay $0x1  }
0x3d: {  	v1 =	vadd.f32 v2, v1;
	v2 =	vmul.f32 v3, v3;
	_ =	sdelay $0x1  }
0x3e: {  	s18 =	sshra.s32 s18, $0x2;
	v1 =	vadd.f32 v2, v1  }
0x3f: {  	[tilespmem:s18+$0x9480] =	vst v0  }
0x40: {  	p1 =	por $0x1, $0x1;
	s19 =	simm.s32 $0x0;
	[tilespmem:s18+$0x8480] =	vst v1;
	s18 =	simm.s32 $0x0  }
.LBB2_4:
0x41: {  	s20 =	sshll.u32 s19, $0x4  }
0x42: {  	v3 =	vld [tilespmem:s20+$0x8400]  }
0x43: {  	v4 =	vld [tilespmem:s20+$0x0]  }
0x44: {  	v1 =	vld [tilespmem:s20+$0x80]  }
0x45: {  	v2 =	vld [tilespmem:s20+$0x100];
	_ =	sdelay $0x3  }
0x46: {  	v16 =	vbroadcast v3, $0x0;
	v15 =	vbroadcast v4, $0x0  }
0x47: {  	v11 =	vbroadcast v1, $0x0;
	v9 =	vbroadcast v2, $0x0  }
0x48: {  	s21 =	sand.u32 $0x70, s18;
	s22 =	sand.u32 $0x3E00, s18;
	s20 =	simm.s32 $0x0;
	v19 =	vbroadcast v3, $0x1;
	v18 =	vbroadcast v4, $0x1  }
0x49: {  	s23 =	sor.u32 s21, s22;
	v26 =	vld [tilespmem:s20+$0x8480];
	v13 =	vbroadcast v1, $0x1;
	v10 =	vbroadcast v2, $0x1  }
0x4a: {  	v7 =	vimm.f32 $3.000000010e+38;
	v27 =	vld [tilespmem:s23+$0x400];
	v20 =	vbroadcast v3, $0x2;
	v21 =	vbroadcast v4, $0x2  }
0x4b: {  	v8 =	vimm.f32 $3.000000010e+38;
	v14 =	vbroadcast v1, $0x2;
	v12 =	vbroadcast v2, $0x2  }
0x4c: {  	v6 =	vimm.f32 $3.000000010e+38;
	v25 =	vld [tilespmem:s23+$0x480];
	v23 =	vbroadcast v3, $0x3;
	v24 =	vbroadcast v4, $0x3  }
0x4d: {  	p0 =	por p1, p1;
	v5 =	vimm.f32 $3.000000010e+38;
	s21 =	simm.s32 $0x10;
	s22 =	simm.s32 $0x0;
	v22 =	vbroadcast v1, $0x3;
	v17 =	vbroadcast v2, $0x3  }
.LBB2_5:
0x4e: {  	p1 =	sne.s32 s21, $0xFF0;
	v28 =	vld [tilespmem:s23+$0x500];
	v29 =	vadd.f32 v26, v16;
	v30 =	vadd.f32 v26, v19  }
0x4f: {  	v33 =	vadd.f32 v26, v20;
	v31 =	vmul.f32 v27, v15;
	v32 =	vmul.f32 v27, v18  }
0x50: {  	v26 =	vadd.f32 v26, v23;
	v34 =	vmul.f32 v27, v21;
	v27 =	vmul.f32 v27, v24  }
0x51: {  	v29 =	vadd.f32 v29, v31;
	v31 =	vmul.f32 v25, v11;
	v35 =	vmul.f32 v25, v13  }
0x52: {  	v30 =	vadd.f32 v30, v32;
	v32 =	vmul.f32 v25, v14;
	v25 =	vmul.f32 v25, v22  }
0x53: {  	v33 =	vadd.f32 v33, v34;
	v36 =	vmul.f32 v28, v9;
	v37 =	vmul.f32 v28, v10  }
0x54: {  	v26 =	vadd.f32 v26, v27;
	v34 =	vmul.f32 v28, v12;
	v27 =	vmul.f32 v28, v17  }
0x55: {  	v28 =	vadd.f32 v36, v31;
	v31 =	vadd.f32 v37, v35  }
0x56: {  	v32 =	vadd.f32 v34, v32;
	v25 =	vadd.f32 v27, v25  }
0x57: {  	v27 =	vadd.f32 v29, v28;
	v28 =	vadd.f32 v30, v31;
	v29 =	vld [tilespmem:s20+$0x9480]  }
0x58: {  	v30 =	vadd.f32 v33, v32;
	v25 =	vadd.f32 v26, v25  }
0x59: {  	v7 =	vmin.f32 v7, v27;
	v8 =	vmin.f32 v8, v28  }
0x5a: {  	v6 =	vmin.f32 v6, v30;
	v26 =	vmin.f32 v27, v28;
	v27 =	vmin.f32 v30, v25  }
0x5b: {  	s22 =	sadd.s32 $0x40, s22;
	v5 =	vmin.f32 v5, v25;
	v25 =	vmin.f32 v26, v27  }
0x5c: {  	s23 =	sand.u32 $0x70, s21;
	s24 =	sand.u32 $0x3E00, s22;
	s25 =	sshra.s32 s22, $0x2;
	v25 =	vmin.f32 v29, v25  }
.Ltmp1:
0x5d: {  	s23 =	sor.u32 s23, s24;
	v26 =	vld [tilespmem:s25+$0x8480];
	[tilespmem:s20+$0x9480] =	vst v25;
	s20 =	smov.u32 s25;
	(pc) =	sbr.rel @p1 .LBB2_5-.Ltmp1, $3  }
0x5e: {  	v27 =	vld [tilespmem:s23+$0x400];
	_ =	sdelay $0x1  }
0x5f: {  	v25 =	vld [tilespmem:s23+$0x480]  }
0x60: {  	s21 =	sadd.s32 $0x10, s21  }
0x61: {  	v28 =	vld [tilespmem:s23+$0x500];
	v16 =	vadd.f32 v26, v16;
	v19 =	vadd.f32 v26, v19  }
0x62: {  	v20 =	vadd.f32 v26, v20;
	v15 =	vmul.f32 v27, v15;
	v18 =	vmul.f32 v27, v18  }
0x63: {  	v23 =	vadd.f32 v26, v23;
	v21 =	vmul.f32 v27, v21;
	v24 =	vmul.f32 v27, v24  }
0x64: {  	v15 =	vadd.f32 v16, v15;
	v11 =	vmul.f32 v25, v11;
	v13 =	vmul.f32 v25, v13  }
0x65: {  	v16 =	vadd.f32 v19, v18;
	v14 =	vmul.f32 v25, v14;
	v18 =	vmul.f32 v25, v22  }
0x66: {  	v19 =	vadd.f32 v20, v21;
	v9 =	vmul.f32 v28, v9;
	v10 =	vmul.f32 v28, v10  }
0x67: {  	v20 =	vadd.f32 v23, v24;
	v12 =	vmul.f32 v28, v12;
	v17 =	vmul.f32 v28, v17  }
0x68: {  	v9 =	vadd.f32 v9, v11;
	v10 =	vadd.f32 v10, v13  }
0x69: {  	v11 =	vadd.f32 v12, v14;
	v12 =	vadd.f32 v17, v18  }
0x6a: {  	v13 =	vld [tilespmem:s20+$0x9480];
	v9 =	vadd.f32 v15, v9;
	v10 =	vadd.f32 v16, v10  }
0x6b: {  	v14 =	vadd.f32 v19, v11;
	v15 =	vadd.f32 v20, v12;
	_ =	sdelay $0x1  }
0x6c: {  	v11 =	vmin.f32 v9, v10;
	v12 =	vmin.f32 v14, v15  }
0x6d: {  	v11 =	vmin.f32 v11, v12  }
0x6e: {  	s19 =	sshll.u32 s19, $0xB;
	v12 =	vmin.f32 v13, v11  }
0x6f: {  	s19 =	sand.u32 $0x3FFFF800, s19;
	v16 =	vmin.f32 v7, v9;
	[tilespmem:s20+$0x9480] =	vst v12  }
0x70: {  	v21 =	vbroadcast v4, $0x6;
	v23 =	vbroadcast v3, $0x7;
	v8 =	vmin.f32 v8, v10;
	[tilespmem:s19+$0xA480] =	vst v16  }
0x71: {  	v24 =	vbroadcast v4, $0x7;
	v22 =	vbroadcast v1, $0x7;
	v6 =	vmin.f32 v6, v14;
	[tilespmem:s19+$0xA500] =	vst v8  }
0x72: {  	s21 =	simm.s32 $0x0;
	v17 =	vbroadcast v3, $0x5;
	v18 =	vbroadcast v1, $0x6;
	v5 =	vmin.f32 v5, v15;
	[tilespmem:s19+$0xA580] =	vst v6  }
0x73: {  	s22 =	sand.u32 $0x70, s21;
	s31 =	sand.u32 $0x3E00, s21;
	v20 =	vbroadcast v3, $0x6;
	v19 =	vbroadcast v2, $0x7;
	s20 =	simm.s32 $0x0;
	[tilespmem:s19+$0xA600] =	vst v5  }
0x74: {  	s23 =	sor.u32 s22, s31;
	v9 =	vbroadcast v1, $0x4;
	v7 =	vbroadcast v2, $0x4;
	v26 =	vld [tilespmem:s20+$0x8480]  }
0x75: {  	v14 =	vbroadcast v1, $0x5;
	v15 =	vbroadcast v2, $0x6;
	v27 =	vld [tilespmem:s23+$0x400]  }
0x76: {  	v13 =	vbroadcast v3, $0x4;
	v11 =	vbroadcast v4, $0x4  }
0x77: {  	v10 =	vimm.f32 $3.000000010e+38;
	v12 =	vbroadcast v2, $0x5;
	v16 =	vbroadcast v4, $0x5;
	v25 =	vld [tilespmem:s23+$0x480]  }
0x78: {  	s22 =	simm.s32 $0x10;
	v6 =	vimm.f32 $3.000000010e+38;
	v8 =	vimm.f32 $3.000000010e+38;
	v5 =	vimm.f32 $3.000000010e+38  }
.LBB2_7:
0x79: {  	p1 =	sne.s32 s22, $0xFF0;
	v28 =	vld [tilespmem:s23+$0x500];
	v29 =	vadd.f32 v26, v13;
	v30 =	vadd.f32 v26, v17  }
0x7a: {  	v33 =	vadd.f32 v26, v20;
	v31 =	vmul.f32 v27, v11;
	v32 =	vmul.f32 v27, v16  }
0x7b: {  	v26 =	vadd.f32 v26, v23;
	v34 =	vmul.f32 v27, v21;
	v27 =	vmul.f32 v27, v24  }
0x7c: {  	v29 =	vadd.f32 v29, v31;
	v31 =	vmul.f32 v25, v9;
	v35 =	vmul.f32 v25, v14  }
0x7d: {  	v30 =	vadd.f32 v30, v32;
	v32 =	vmul.f32 v25, v18;
	v25 =	vmul.f32 v25, v22  }
0x7e: {  	v33 =	vadd.f32 v33, v34;
	v36 =	vmul.f32 v28, v7;
	v37 =	vmul.f32 v28, v12  }
0x7f: {  	v26 =	vadd.f32 v26, v27;
	v34 =	vmul.f32 v28, v15;
	v27 =	vmul.f32 v28, v19  }
0x80: {  	v28 =	vadd.f32 v36, v31;
	v31 =	vadd.f32 v37, v35  }
0x81: {  	v32 =	vadd.f32 v34, v32;
	v25 =	vadd.f32 v27, v25  }
0x82: {  	v27 =	vadd.f32 v29, v28;
	v28 =	vadd.f32 v30, v31;
	v29 =	vld [tilespmem:s20+$0x9480]  }
0x83: {  	v30 =	vadd.f32 v33, v32;
	v25 =	vadd.f32 v26, v25  }
0x84: {  	v6 =	vmin.f32 v6, v27;
	v10 =	vmin.f32 v10, v28  }
0x85: {  	v8 =	vmin.f32 v8, v30;
	v26 =	vmin.f32 v27, v28;
	v27 =	vmin.f32 v30, v25  }
0x86: {  	s21 =	sadd.s32 $0x40, s21;
	v5 =	vmin.f32 v5, v25;
	v25 =	vmin.f32 v26, v27  }
0x87: {  	s23 =	sand.u32 $0x70, s22;
	s24 =	sand.u32 $0x3E00, s21;
	s25 =	sshra.s32 s21, $0x2;
	v25 =	vmin.f32 v29, v25  }
.Ltmp2:
0x88: {  	s23 =	sor.u32 s23, s24;
	v26 =	vld [tilespmem:s25+$0x8480];
	[tilespmem:s20+$0x9480] =	vst v25;
	s20 =	smov.u32 s25;
	(pc) =	sbr.rel @p1 .LBB2_7-.Ltmp2, $3  }
0x89: {  	v27 =	vld [tilespmem:s23+$0x400];
	_ =	sdelay $0x1  }
0x8a: {  	v25 =	vld [tilespmem:s23+$0x480]  }
0x8b: {  	s22 =	sadd.s32 $0x10, s22  }
0x8c: {  	v28 =	vld [tilespmem:s23+$0x500];
	v13 =	vadd.f32 v26, v13;
	v17 =	vadd.f32 v26, v17  }
0x8d: {  	v20 =	vadd.f32 v26, v20;
	v11 =	vmul.f32 v27, v11;
	v16 =	vmul.f32 v27, v16  }
0x8e: {  	v23 =	vadd.f32 v26, v23;
	v21 =	vmul.f32 v27, v21;
	v24 =	vmul.f32 v27, v24  }
0x8f: {  	v11 =	vadd.f32 v13, v11;
	v9 =	vmul.f32 v25, v9;
	v13 =	vmul.f32 v25, v14  }
0x90: {  	v14 =	vadd.f32 v17, v16;
	v16 =	vmul.f32 v25, v18;
	v17 =	vmul.f32 v25, v22  }
0x91: {  	v18 =	vadd.f32 v20, v21;
	v7 =	vmul.f32 v28, v7;
	v12 =	vmul.f32 v28, v12  }
0x92: {  	v20 =	vadd.f32 v23, v24;
	v15 =	vmul.f32 v28, v15;
	v19 =	vmul.f32 v28, v19  }
0x93: {  	v7 =	vadd.f32 v7, v9;
	v9 =	vadd.f32 v12, v13  }
0x94: {  	v12 =	vadd.f32 v15, v16;
	v13 =	vadd.f32 v19, v17  }
0x95: {  	v7 =	vadd.f32 v11, v7;
	v11 =	vadd.f32 v14, v9;
	v9 =	vld [tilespmem:s20+$0x9480]  }
0x96: {  	v14 =	vadd.f32 v18, v12;
	v15 =	vadd.f32 v20, v13;
	_ =	sdelay $0x1  }
0x97: {  	v12 =	vmin.f32 v7, v11;
	v13 =	vmin.f32 v14, v15  }
0x98: {  	v12 =	vmin.f32 v12, v13  }
0x99: {  	v9 =	vmin.f32 v9, v12  }
0x9a: {  	v7 =	vmin.f32 v6, v7;
	[tilespmem:s20+$0x9480] =	vst v9  }
0x9b: {  	v21 =	vbroadcast v4, $0xA;
	v23 =	vbroadcast v3, $0xB;
	v10 =	vmin.f32 v10, v11;
	[tilespmem:s19+$0xA680] =	vst v7  }
0x9c: {  	v24 =	vbroadcast v4, $0xB;
	v22 =	vbroadcast v1, $0xB;
	v5 =	vmin.f32 v5, v15;
	[tilespmem:s19+$0xA700] =	vst v10  }
0x9d: {  	s21 =	simm.s32 $0x0;
	v17 =	vbroadcast v3, $0x9;
	v16 =	vbroadcast v4, $0x9;
	v7 =	vmin.f32 v8, v14;
	[tilespmem:s19+$0xA800] =	vst v5  }
0x9e: {  	s22 =	sand.u32 $0x70, s21;
	s31 =	sand.u32 $0x3E00, s21;
	v19 =	vbroadcast v2, $0xB;
	v20 =	vbroadcast v3, $0xA;
	s20 =	simm.s32 $0x0;
	[tilespmem:s19+$0xA780] =	vst v7  }
0x9f: {  	s23 =	sor.u32 s22, s31;
	v18 =	vbroadcast v1, $0xA;
	v6 =	vbroadcast v2, $0x8;
	v26 =	vld [tilespmem:s20+$0x8480]  }
0xa0: {  	v11 =	vbroadcast v2, $0x9;
	v15 =	vbroadcast v2, $0xA;
	v27 =	vld [tilespmem:s23+$0x400]  }
0xa1: {  	v13 =	vbroadcast v3, $0x8;
	v12 =	vbroadcast v4, $0x8  }
0xa2: {  	v9 =	vbroadcast v1, $0x8;
	v14 =	vbroadcast v1, $0x9;
	v8 =	vimm.f32 $3.000000010e+38;
	v25 =	vld [tilespmem:s23+$0x480]  }
0xa3: {  	s22 =	simm.s32 $0x10;
	v10 =	vimm.f32 $3.000000010e+38;
	v5 =	vimm.f32 $3.000000010e+38;
	v7 =	vimm.f32 $3.000000010e+38  }
.LBB2_9:
0xa4: {  	p1 =	sne.s32 s22, $0xFF0;
	v28 =	vld [tilespmem:s23+$0x500];
	v29 =	vadd.f32 v26, v13;
	v30 =	vadd.f32 v26, v17  }
0xa5: {  	v33 =	vadd.f32 v26, v20;
	v31 =	vmul.f32 v27, v12;
	v32 =	vmul.f32 v27, v16  }
0xa6: {  	v26 =	vadd.f32 v26, v23;
	v34 =	vmul.f32 v27, v21;
	v27 =	vmul.f32 v27, v24  }
0xa7: {  	v29 =	vadd.f32 v29, v31;
	v31 =	vmul.f32 v25, v9;
	v35 =	vmul.f32 v25, v14  }
0xa8: {  	v30 =	vadd.f32 v30, v32;
	v32 =	vmul.f32 v25, v18;
	v25 =	vmul.f32 v25, v22  }
0xa9: {  	v33 =	vadd.f32 v33, v34;
	v36 =	vmul.f32 v28, v6;
	v37 =	vmul.f32 v28, v11  }
0xaa: {  	v26 =	vadd.f32 v26, v27;
	v34 =	vmul.f32 v28, v15;
	v27 =	vmul.f32 v28, v19  }
0xab: {  	v28 =	vadd.f32 v36, v31;
	v31 =	vadd.f32 v37, v35  }
0xac: {  	v32 =	vadd.f32 v34, v32;
	v25 =	vadd.f32 v27, v25  }
0xad: {  	v27 =	vadd.f32 v29, v28;
	v28 =	vadd.f32 v30, v31;
	v29 =	vld [tilespmem:s20+$0x9480]  }
0xae: {  	v30 =	vadd.f32 v33, v32;
	v25 =	vadd.f32 v26, v25  }
0xaf: {  	v8 =	vmin.f32 v8, v27;
	v10 =	vmin.f32 v10, v28  }
0xb0: {  	v7 =	vmin.f32 v7, v30;
	v26 =	vmin.f32 v27, v28;
	v27 =	vmin.f32 v30, v25  }
0xb1: {  	s21 =	sadd.s32 $0x40, s21;
	v5 =	vmin.f32 v5, v25;
	v25 =	vmin.f32 v26, v27  }
0xb2: {  	s23 =	sand.u32 $0x70, s22;
	s24 =	sand.u32 $0x3E00, s21;
	s25 =	sshra.s32 s21, $0x2;
	v25 =	vmin.f32 v29, v25  }
.Ltmp3:
0xb3: {  	s23 =	sor.u32 s23, s24;
	v26 =	vld [tilespmem:s25+$0x8480];
	[tilespmem:s20+$0x9480] =	vst v25;
	s20 =	smov.u32 s25;
	(pc) =	sbr.rel @p1 .LBB2_9-.Ltmp3, $3  }
0xb4: {  	v27 =	vld [tilespmem:s23+$0x400];
	_ =	sdelay $0x1  }
0xb5: {  	v25 =	vld [tilespmem:s23+$0x480]  }
0xb6: {  	s22 =	sadd.s32 $0x10, s22  }
0xb7: {  	v28 =	vld [tilespmem:s23+$0x500];
	v13 =	vadd.f32 v26, v13;
	v17 =	vadd.f32 v26, v17  }
0xb8: {  	v20 =	vadd.f32 v26, v20;
	v12 =	vmul.f32 v27, v12;
	v16 =	vmul.f32 v27, v16  }
0xb9: {  	v23 =	vadd.f32 v26, v23;
	v21 =	vmul.f32 v27, v21;
	v24 =	vmul.f32 v27, v24  }
0xba: {  	v12 =	vadd.f32 v13, v12;
	v9 =	vmul.f32 v25, v9;
	v13 =	vmul.f32 v25, v14  }
0xbb: {  	v14 =	vadd.f32 v17, v16;
	v16 =	vmul.f32 v25, v18;
	v17 =	vmul.f32 v25, v22  }
0xbc: {  	v18 =	vadd.f32 v20, v21;
	v6 =	vmul.f32 v28, v6;
	v11 =	vmul.f32 v28, v11  }
0xbd: {  	v20 =	vadd.f32 v23, v24;
	v15 =	vmul.f32 v28, v15;
	v19 =	vmul.f32 v28, v19  }
0xbe: {  	v6 =	vadd.f32 v6, v9;
	v9 =	vadd.f32 v11, v13  }
0xbf: {  	v11 =	vadd.f32 v15, v16;
	v13 =	vadd.f32 v19, v17  }
0xc0: {  	v6 =	vadd.f32 v12, v6;
	v12 =	vadd.f32 v14, v9;
	v9 =	vld [tilespmem:s20+$0x9480]  }
0xc1: {  	v14 =	vadd.f32 v18, v11;
	v15 =	vadd.f32 v20, v13;
	_ =	sdelay $0x1  }
0xc2: {  	v11 =	vmin.f32 v6, v12;
	v13 =	vmin.f32 v14, v15  }
0xc3: {  	v11 =	vmin.f32 v11, v13  }
0xc4: {  	v13 =	vmin.f32 v9, v11  }
0xc5: {  	v16 =	vmin.f32 v8, v6;
	[tilespmem:s20+$0x9480] =	vst v13  }
0xc6: {  	v17 =	vbroadcast v4, $0xE;
	v19 =	vbroadcast v3, $0xF;
	v10 =	vmin.f32 v10, v12;
	[tilespmem:s19+$0xA880] =	vst v16  }
0xc7: {  	v20 =	vbroadcast v4, $0xF;
	v18 =	vbroadcast v1, $0xF;
	v14 =	vmin.f32 v7, v14;
	[tilespmem:s19+$0xA900] =	vst v10  }
0xc8: {  	s21 =	simm.s32 $0x0;
	v8 =	vbroadcast v1, $0xC;
	v6 =	vbroadcast v2, $0xC;
	v5 =	vmin.f32 v5, v15;
	[tilespmem:s19+$0xA980] =	vst v14  }
0xc9: {  	s22 =	sand.u32 $0x70, s21;
	s31 =	sand.u32 $0x3E00, s21;
	v12 =	vbroadcast v4, $0xD;
	v7 =	vbroadcast v2, $0xD;
	s20 =	simm.s32 $0x0;
	[tilespmem:s19+$0xAA00] =	vst v5  }
0xca: {  	s23 =	sor.u32 s22, s31;
	v15 =	vbroadcast v2, $0xF;
	v11 =	vbroadcast v3, $0xC;
	v22 =	vld [tilespmem:s20+$0x8480]  }
0xcb: {  	v9 =	vbroadcast v4, $0xC;
	v13 =	vbroadcast v3, $0xD;
	v23 =	vld [tilespmem:s23+$0x400]  }
0xcc: {  	v10 =	vbroadcast v1, $0xD;
	v16 =	vbroadcast v3, $0xE  }
0xcd: {  	v4 =	vimm.f32 $3.000000010e+38;
	v14 =	vbroadcast v1, $0xE;
	v5 =	vbroadcast v2, $0xE;
	v21 =	vld [tilespmem:s23+$0x480]  }
0xce: {  	s22 =	simm.s32 $0x10;
	v1 =	vimm.f32 $3.000000010e+38;
	v3 =	vimm.f32 $3.000000010e+38;
	v2 =	vimm.f32 $3.000000010e+38  }
.LBB2_11:
0xcf: {  	p1 =	sne.s32 s22, $0xFF0;
	v24 =	vld [tilespmem:s23+$0x500];
	v25 =	vadd.f32 v22, v11;
	v26 =	vadd.f32 v22, v13  }
0xd0: {  	v29 =	vadd.f32 v22, v16;
	v27 =	vmul.f32 v23, v9;
	v28 =	vmul.f32 v23, v12  }
0xd1: {  	v22 =	vadd.f32 v22, v19;
	v30 =	vmul.f32 v23, v17;
	v23 =	vmul.f32 v23, v20  }
0xd2: {  	v25 =	vadd.f32 v25, v27;
	v27 =	vmul.f32 v21, v8;
	v31 =	vmul.f32 v21, v10  }
0xd3: {  	v26 =	vadd.f32 v26, v28;
	v28 =	vmul.f32 v21, v14;
	v21 =	vmul.f32 v21, v18  }
0xd4: {  	v29 =	vadd.f32 v29, v30;
	v32 =	vmul.f32 v24, v6;
	v33 =	vmul.f32 v24, v7  }
0xd5: {  	v22 =	vadd.f32 v22, v23;
	v30 =	vmul.f32 v24, v5;
	v23 =	vmul.f32 v24, v15  }
0xd6: {  	v24 =	vadd.f32 v32, v27;
	v27 =	vadd.f32 v33, v31  }
0xd7: {  	v28 =	vadd.f32 v30, v28;
	v21 =	vadd.f32 v23, v21  }
0xd8: {  	v23 =	vadd.f32 v25, v24;
	v24 =	vadd.f32 v26, v27;
	v25 =	vld [tilespmem:s20+$0x9480]  }
0xd9: {  	v26 =	vadd.f32 v29, v28;
	v21 =	vadd.f32 v22, v21  }
0xda: {  	v1 =	vmin.f32 v1, v23;
	v4 =	vmin.f32 v4, v24  }
0xdb: {  	v3 =	vmin.f32 v3, v26;
	v22 =	vmin.f32 v23, v24;
	v23 =	vmin.f32 v26, v21  }
0xdc: {  	s21 =	sadd.s32 $0x40, s21;
	v2 =	vmin.f32 v2, v21;
	v21 =	vmin.f32 v22, v23  }
0xdd: {  	s23 =	sand.u32 $0x70, s22;
	s24 =	sand.u32 $0x3E00, s21;
	s25 =	sshra.s32 s21, $0x2;
	v21 =	vmin.f32 v25, v21  }
.Ltmp4:
0xde: {  	s23 =	sor.u32 s23, s24;
	v22 =	vld [tilespmem:s25+$0x8480];
	[tilespmem:s20+$0x9480] =	vst v21;
	s20 =	smov.u32 s25;
	(pc) =	sbr.rel @p1 .LBB2_11-.Ltmp4, $3  }
0xdf: {  	v23 =	vld [tilespmem:s23+$0x400];
	_ =	sdelay $0x1  }
0xe0: {  	v21 =	vld [tilespmem:s23+$0x480]  }
0xe1: {  	s22 =	sadd.s32 $0x10, s22  }
0xe2: {  	v24 =	vld [tilespmem:s23+$0x500];
	v11 =	vadd.f32 v22, v11;
	v13 =	vadd.f32 v22, v13  }
0xe3: {  	v16 =	vadd.f32 v22, v16;
	v9 =	vmul.f32 v23, v9;
	v12 =	vmul.f32 v23, v12  }
0xe4: {  	v19 =	vadd.f32 v22, v19;
	v17 =	vmul.f32 v23, v17;
	v20 =	vmul.f32 v23, v20  }
0xe5: {  	v9 =	vadd.f32 v11, v9;
	v8 =	vmul.f32 v21, v8;
	v10 =	vmul.f32 v21, v10  }
0xe6: {  	v55 =	vadd.f32 v13, v12;
	v56 =	vmul.f32 v21, v14;
	v57 =	vmul.f32 v21, v18  }
0xe7: {  	v58 =	vadd.f32 v16, v17;
	v6 =	vmul.f32 v24, v6;
	v7 =	vmul.f32 v24, v7  }
0xe8: {  	v59 =	vadd.f32 v19, v20;
	v5 =	vmul.f32 v24, v5;
	v15 =	vmul.f32 v24, v15  }
0xe9: {  	v6 =	vadd.f32 v6, v8;
	v7 =	vadd.f32 v7, v10  }
0xea: {  	v5 =	vadd.f32 v5, v56;
	v60 =	vadd.f32 v15, v57  }
0xeb: {  	v61 =	vld [tilespmem:s20+$0x9480];
	v6 =	vadd.f32 v9, v6;
	v7 =	vadd.f32 v55, v7  }
0xec: {  	v5 =	vadd.f32 v58, v5;
	v8 =	vadd.f32 v59, v60;
	_ =	sdelay $0x1  }
0xed: {  	v62 =	vmin.f32 v6, v7;
	v63 =	vmin.f32 v5, v8  }
0xee: {  	v10 =	vmin.f32 v62, v63  }
0xef: {  	v9 =	vmin.f32 v61, v10  }
.Ltmp5:
0xf0: {  	v1 =	vmin.f32 v1, v6;
	[tilespmem:s20+$0x9480] =	vst v9;
	(pc) =	sbr.rel @p0 .LBB2_4-.Ltmp5, $4  }
0xf1: {  	v4 =	vmin.f32 v4, v7;
	[tilespmem:s19+$0xAA80] =	vst v1  }
0xf2: {  	v2 =	vmin.f32 v2, v8;
	[tilespmem:s19+$0xAB00] =	vst v4  }
0xf3: {  	v1 =	vmin.f32 v3, v5;
	[tilespmem:s19+$0xAC00] =	vst v2  }
0xf4: {  	p1 =	por $0x0, $0x0;
	[tilespmem:s19+$0xAB80] =	vst v1;
	s19 =	simm.s32 $0x1  }
0xf5: {  	[hbm4b:s7+s2] =	stream.linear.scatter [tilespmem:s14], [sflag:$0x1], $0x1000, $0x38;
	[tilespmem:$0xB480] =	vst v63  }
0xf6: {  	s17 =	sadd.s32 $0x1, s17;
	_ =	swait.ge [sflag:s10], $0x1000  }
0xf7: {  	p0 =	sne.s32 s17, s9;
	[sflag:s10] =	ssyncset.done $0x0  }
.Ltmp6:
0xf8: {  	[sflag:s10] =	ssyncadd.s32 $0xFFFFF000;
	(pc) =	sbr.rel @p0 .LBB2_1-.Ltmp6, $4  }
0xf9: {  	[hbm4b:s8+s15] =	stream.strided.scatter [tilespmem:s16], [sflag:$0x1], $0x1000, s12, s15, $0x38;
	[tilespmem:$0xB480] =	vst v63  }
0xfa: {  	_ =	swait.ge [sflag:s10], $0x1000  }
0xfb: {  	[sflag:s10] =	ssyncset.done $0x0  }
0xfc: {  	[sflag:s10] =	ssyncadd.s32 $0xFFFFF000  }
0xfd: {  	_ =	sfence.sel $0x180000  }
0xfe: {  	[bflag:$0x0] =	sbarrier.arrive $0xFFFF  }
0xff: {  	p0 =	sne.s32 s0, $0x0;
	_ =	strace $0x90000047  }
0x100: {  	s0 =	sadd.s32 @!p0 $0x100000, s1;
	[bflag:$0x2] =	sbarrier.arrive $0xFFFF  }
0x101: {  	[sflag:s0] =	ssyncadd.tile.s32 @!p0 $0x1;
	_ =	shalt  }
.Lfunc_end2:
_tile_overlayer_lowered:
.L_overlay_start_2:
0x102: {  	(tag) =	ssettag $0x2  }
0x103: {  	s0 =	rddreg [dreg:$0x0];
	s2 =	stileid.u32  }
0x104: {  	s1 =	rddreg [dreg:$0x1];
	p0 =	sne.s32 s2, $0x0  }
0x105: {  	s3 =	rddreg [dreg:$0x2];
	[bflag:$0x3] =	sbarrier.arrive $0xFFFF;
	s2 =	simm.s32 @!p0 $0x1C01  }
0x106: {  	[timem:s3], [sflag:s2] =	dma.local @!p0 [hbm:s0], s1  }
0x107: {  	s0 =	simm.s32 @!p0 $0x1  }
0x108: {  	_ =	swait.ge @!p0 [sflag:s0], s1  }
0x109: {  	s1 =	ssub.s32 @!p0 $0x0, s1;
	[sflag:s0] =	ssyncset.done @!p0 $0x0  }
0x10a: {  	[sflag:s0] =	ssyncadd.s32 @!p0 s1  }
0x10b: {  	[bflag:$0x3] =	sbarrier.arrive $0xFFFF  }
0x10c: {  	_ =	shalt  }

</sc_bundles>
